<compile_context>
chip_gen: v7x
topology: tpu7x:2x2x1
jax: 0.10.2.dev20260603
libtpu: 0.0.44.dev20260713+nightly
codegen_flags: <defaults>
</compile_context>

<pallas_src>
import functools

import jax
import jax.numpy as jnp
from jax import lax
from jax.experimental import pallas as pl
from jax.experimental.pallas import tpu as pltpu
from jax.experimental.pallas import tpu_sc as plsc

N_NODES = 10000
N_EDGES = 320000
D_IN = 128
D_HID = 128
D_OUT = 40

NC = 2
NS = 16
NW = NC * NS
LANES = 16

NPAD = 10112
CHUNK = 32
EPT = 10240
E_PAD = NW * EPT
EPT_RAW = N_EDGES // NW
ROWS_PT = NPAD // NS

_mesh = plsc.VectorSubcoreMesh(
    core_axis_name="c", subcore_axis_name="s", num_cores=NC, num_subcores=NS
)


@functools.partial(
    pl.kernel,
    out_type=jax.ShapeDtypeStruct((NW, NPAD), jnp.float32),
    mesh=_mesh,
    scratch_types=[
        pltpu.VMEM((EPT_RAW,), jnp.int32),
        pltpu.VMEM((NPAD,), jnp.float32),
    ],
    compiler_params=pltpu.CompilerParams(needs_layout_passes=False),
)
def _sc_degree(dst_hbm, out_hbm, idx_v, deg_v):
    wid = lax.axis_index("s") * NC + lax.axis_index("c")
    pltpu.sync_copy(dst_hbm.at[pl.ds(wid * EPT_RAW, EPT_RAW)], idx_v)
    zero16 = jnp.zeros((LANES,), jnp.float32)

    def zbody(i, carry):
        deg_v[pl.ds(i * LANES, LANES)] = zero16
        return carry

    lax.fori_loop(0, NPAD // LANES, zbody, 0, unroll=8)
    one16 = jnp.ones((LANES,), jnp.float32)

    def body(i, carry):
        idx = idx_v[pl.ds(i * LANES, LANES)]
        plsc.addupdate_scatter(deg_v, [idx], one16)
        return carry

    lax.fori_loop(0, EPT_RAW // LANES, body, 0, unroll=5)
    pltpu.sync_copy(deg_v, out_hbm.at[wid])


NBUF = 5
CPT = EPT // CHUNK


@functools.partial(
    pl.kernel,
    out_type=jax.ShapeDtypeStruct((NC, NPAD, D_HID), jnp.float32),
    mesh=_mesh,
    scratch_types=[
        pltpu.VMEM((EPT,), jnp.int32),
        pltpu.VMEM((CPT, CHUNK), jnp.int32),
        pltpu.VMEM((NBUF, CHUNK, D_HID), jnp.float32),
        pltpu.VMEM_SHARED((NPAD, D_HID), jnp.float32),
    ]
    + [pltpu.SemaphoreType.DMA] * NBUF,
    compiler_params=pltpu.CompilerParams(use_tc_tiling_on_sc=False),
)
def _sc_scatter(src_hbm, dst_hbm, hn_hbm, z_hbm, out_hbm,
                srcv, dstv, rows, agg, *sems):
    cid = lax.axis_index("c")
    sid = lax.axis_index("s")
    wid = sid * NC + cid
    pltpu.sync_copy(src_hbm.at[pl.ds(wid * EPT, EPT)], srcv)
    pltpu.sync_copy(dst_hbm.at[pl.ds(wid * CPT, CPT)], dstv)

    def sidx(j):
        return srcv.at[pl.ds(j * CHUNK, CHUNK)]
    stripe = pl.ds(sid * ROWS_PT, ROWS_PT)

    @pl.when(cid == 0)
    def _():
        pltpu.sync_copy(hn_hbm.at[stripe], agg.at[stripe])

    @pl.when(cid == 1)
    def _():
        pltpu.sync_copy(z_hbm, agg.at[stripe])

    for b in range(NBUF - 1):
        pltpu.async_copy(hn_hbm.at[sidx(b)], rows.at[b], sems[b])
    plsc.subcore_barrier()

    def group(g, carry):
        j0 = g * NBUF
        for b in range(NBUF):
            j = j0 + b
            jn = j + NBUF - 1
            bn = (b - 1) % NBUF

            @pl.when(jn < CPT)
            def _():
                pltpu.async_copy(hn_hbm.at[sidx(jn)], rows.at[bn], sems[bn])

            pltpu.make_async_copy(hn_hbm.at[sidx(0)], rows.at[b], sems[b]).wait()
            pltpu.sync_copy(rows.at[b], agg.at[dstv.at[j]], add=True)
        return carry

    lax.fori_loop(0, CPT // NBUF, group, 0)
    plsc.subcore_barrier()
    pltpu.sync_copy(agg.at[pl.ds(sid * ROWS_PT, ROWS_PT)],
                    out_hbm.at[cid, pl.ds(sid * ROWS_PT, ROWS_PT)])


def _tc_hn_body(degp_ref, x_ref, w_ref, hn_ref, dis_ref):
    ones = jnp.ones((NW, 1), jnp.float32)
    deg_col = lax.dot_general(degp_ref[...], ones, (((0,), (0,)), ((), ())),
                              preferred_element_type=jnp.float32) + 1.0
    dis = lax.rsqrt(deg_col)
    h = jnp.dot(x_ref[...], w_ref[...], preferred_element_type=jnp.float32)
    hn_ref[:N_NODES] = h * dis[:N_NODES]
    hn_ref[N_NODES:] = jnp.zeros((NPAD - N_NODES, D_HID), jnp.float32)
    dis_ref[...] = dis


BLK_D = 2000


def _tc_final_body(p_ref, dis_ref, w2_ref, b1_ref, b2_ref, o_ref):
    s = p_ref[0] + p_ref[1]
    a = s * dis_ref[...] + b1_ref[...][None, :]
    r = jnp.maximum(a, 0.0)
    o = jnp.dot(r, w2_ref[...], preferred_element_type=jnp.float32)
    o = o + b2_ref[...][None, :]
    m = jnp.max(o, axis=-1, keepdims=True)
    ex = jnp.exp(o - m)
    lse = jnp.log(jnp.sum(ex, axis=-1, keepdims=True)) + m
    o_ref[...] = o - lse


def kernel(x, edge_index, batch, W1, b1, W2, b2):
    del batch
    src = edge_index[0].astype(jnp.int32)
    dst = edge_index[1].astype(jnp.int32)
    n_pad_e = E_PAD - N_EDGES
    pad_idx = N_NODES + (jnp.arange(n_pad_e, dtype=jnp.int32) % (NPAD - N_NODES))
    src_p2 = jnp.concatenate([src, pad_idx])
    dst_p2 = jnp.concatenate([dst, pad_idx]).reshape(NW * (EPT // CHUNK), CHUNK)

    degp = _sc_degree(dst)

    hn, dis_col = pl.pallas_call(
        _tc_hn_body,
        out_shape=(jax.ShapeDtypeStruct((NPAD, D_HID), jnp.float32),
                   jax.ShapeDtypeStruct((NPAD, 1), jnp.float32)),
    )(degp, x, W1)

    zeros = jnp.zeros((ROWS_PT, D_HID), jnp.float32)
    p = _sc_scatter(src_p2, dst_p2, hn, zeros)

    out = pl.pallas_call(
        _tc_final_body,
        grid=(N_NODES // BLK_D,),
        in_specs=[
            pl.BlockSpec((NC, BLK_D, D_HID), lambda i: (0, i, 0)),
            pl.BlockSpec((BLK_D, 1), lambda i: (i, 0)),
            pl.BlockSpec((D_HID, D_OUT), lambda i: (0, 0)),
            pl.BlockSpec((D_HID,), lambda i: (0,)),
            pl.BlockSpec((D_OUT,), lambda i: (0,)),
        ],
        out_specs=pl.BlockSpec((BLK_D, D_OUT), lambda i: (i, 0)),
        out_shape=jax.ShapeDtypeStruct((N_NODES, D_OUT), jnp.float32),
    )(p, dis_col, W2, b1, b2)
    return out

# --- scband reference (transcript-rebuilt; emitter-appended) ---
"""Pipeline reference for scband-gcn-85005992722928 (READ-ONLY COPY).

The authoritative reference and input builder live on the scoring server;
editing this copy changes nothing except your own understanding.
"""

import jax, jax.numpy as jnp
import numpy as np

N_NODES = 10000
N_EDGES = 320000
D_IN = 128
D_HID = 128
D_OUT = 40


def setup_inputs(seed: int = 0) -> dict:
    key = jax.random.key(seed)
    k1, k2, k3, k4, k5, k6 = jax.random.split(key, 6)
    x = jax.random.normal(k1, (N_NODES, D_IN), dtype=jnp.float32)
    edge_index = jax.random.randint(k2, (2, N_EDGES), 0, N_NODES, dtype=jnp.int64)
    batch = jnp.zeros((N_NODES,), dtype=jnp.int64)
    # GCNConv weight (glorot-style) and bias
    W1 = jax.random.normal(k3, (D_IN, D_HID), dtype=jnp.float32) * (1.0 / np.sqrt(D_IN))
    b1 = jnp.zeros((D_HID,), dtype=jnp.float32)
    # output Linear
    W2 = jax.random.normal(k4, (D_HID, D_OUT), dtype=jnp.float32) * (1.0 / np.sqrt(D_HID))
    b2 = jax.random.uniform(k5, (D_OUT,), dtype=jnp.float32, minval=-1.0 / np.sqrt(D_HID), maxval=1.0 / np.sqrt(D_HID))
    return {"x": x, "edge_index": edge_index, "batch": batch, "W1": W1, "b1": b1, "W2": W2, "b2": b2}


def _gcn_conv(x, edge_index, W, b):
    # Faithful PyG GCNConv: add self-loops, symmetric normalization, x @ W, scatter-add, + bias
    N = x.shape[0]
    loop = jnp.arange(N, dtype=edge_index.dtype)
    src = jnp.concatenate([edge_index[0], loop])
    dst = jnp.concatenate([edge_index[1], loop])
    deg = jnp.zeros((N,), dtype=x.dtype).at[dst].add(1.0)
    deg_inv_sqrt = jnp.where(deg > 0, jax.lax.rsqrt(jnp.maximum(deg, 1e-12)), 0.0)
    norm = deg_inv_sqrt[src] * deg_inv_sqrt[dst]
    h = x @ W
    msg = h[src] * norm[:, None]
    out = jnp.zeros((N, W.shape[1]), dtype=x.dtype).at[dst].add(msg)
    return out + b


def reference(x, edge_index, batch, W1, b1, W2, b2):
    h = _gcn_conv(x, edge_index, W1, b1)
    h = jax.nn.relu(h)
    out = h @ W2 + b2
    return jax.nn.log_softmax(out, axis=-1)

if __name__ == "__main__":
    import jax
    _d = setup_inputs()
    print(jax.jit(kernel)(*tuple(_d.values())))

</pallas_src>

<mosaic_0001>
#map = affine_map<(d0, d1) -> (0)>
#map1 = affine_map<(d0, d1) -> (0, 0)>
#map2 = affine_map<(d0, d1) -> (0, 0, 0)>
module attributes {stable_mosaic.version = 14 : i64} {
  func.func @_sc_scatter(%arg0: i32, %arg1: i32, %arg2: memref<327680xi32, #tpu.memory_space<hbm>>, %arg3: memref<10240x32xi32, #tpu.memory_space<hbm>>, %arg4: memref<10112x128xf32, #tpu.memory_space<hbm>>, %arg5: memref<632x128xf32, #tpu.memory_space<hbm>>, %arg6: memref<2x10112x128xf32, #tpu.memory_space<hbm>>, %arg7: memref<10240xi32, #tpu.memory_space<vmem>>, %arg8: memref<320x32xi32, #tpu.memory_space<vmem>>, %arg9: memref<5x32x128xf32, #tpu.memory_space<vmem>>, %arg10: memref<10112x128xf32, #tpu.memory_space<vmem_shared>>, %arg11: memref<!tpu.dma_semaphore, #tpu.memory_space<semaphore_mem>>, %arg12: memref<!tpu.dma_semaphore, #tpu.memory_space<semaphore_mem>>, %arg13: memref<!tpu.dma_semaphore, #tpu.memory_space<semaphore_mem>>, %arg14: memref<!tpu.dma_semaphore, #tpu.memory_space<semaphore_mem>>, %arg15: memref<!tpu.dma_semaphore, #tpu.memory_space<semaphore_mem>>) attributes {dimension_semantics = [#tpu.dimension_semantics<core_parallel>, #tpu.dimension_semantics<subcore_parallel>], iteration_bounds = array<i64: 2, 16>, scalar_prefetch = 0 : i64, scratch_operands = 9 : i64, tpu.core_type = #tpu.core_type<sc_vector_subcore>, window_params = [{transform_indices = #map}, {transform_indices = #map1}, {transform_indices = #map1}, {transform_indices = #map1}, {transform_indices = #map2}]} {
    %mul3A = arith.constant 2 : i32
    %mul3A_0 = arith.muli %arg1, %mul3A : i32
    %add3A = arith.addi %mul3A_0, %arg0 : i32
    %mul3A_1 = arith.constant 10240 : i32
    %mul3A_2 = arith.muli %add3A, %mul3A_1 : i32
    "tpu.region"() ({
      %run_scoped3A = tpu.sem_alloc : memref<!tpu.dma_semaphore, #tpu.memory_space<semaphore_mem>>
      %dma_start3A_63 = tpu.memref_slice %arg2[%mul3A_2] : memref<327680xi32, #tpu.memory_space<hbm>> -> memref<10240xi32, #tpu.memory_space<hbm>>
      %dma_start3A_64 = tpu.memref_slice %arg2[%mul3A_2] : memref<327680xi32, #tpu.memory_space<hbm>> -> memref<10240xi32, #tpu.memory_space<hbm>>
      tpu.enqueue_dma source(%dma_start3A_64 : memref<10240xi32, #tpu.memory_space<hbm>>) target(%arg7 : memref<10240xi32, #tpu.memory_space<vmem>>) target_semaphore(%run_scoped3A : memref<!tpu.dma_semaphore, #tpu.memory_space<semaphore_mem>>)
      %dma_wait3A = tpu.memref_slice %arg2[%mul3A_2] : memref<327680xi32, #tpu.memory_space<hbm>> -> memref<10240xi32, #tpu.memory_space<hbm>>
      %dma_wait3A_65 = tpu.memref_slice %arg2[%mul3A_2] : memref<327680xi32, #tpu.memory_space<hbm>> -> memref<10240xi32, #tpu.memory_space<hbm>>
      tpu.wait_dma2 semaphore(%run_scoped3A : memref<!tpu.dma_semaphore, #tpu.memory_space<semaphore_mem>>) src(%dma_wait3A_65 : memref<10240xi32, #tpu.memory_space<hbm>>) dst(%arg7 : memref<10240xi32, #tpu.memory_space<vmem>>)
      tpu.yield
    }) : () -> ()
    %mul3A_3 = arith.constant 320 : i32
    %mul3A_4 = arith.muli %add3A, %mul3A_3 : i32
    "tpu.region"() ({
      %run_scoped3A = tpu.sem_alloc : memref<!tpu.dma_semaphore, #tpu.memory_space<semaphore_mem>>
      %dma_start3A_63 = arith.constant 0 : i32
      %dma_start3A_64 = tpu.memref_slice %arg3[%mul3A_4, %dma_start3A_63] : memref<10240x32xi32, #tpu.memory_space<hbm>> -> memref<320x32xi32, #tpu.memory_space<hbm>>
      %dma_start3A_65 = arith.constant 0 : i32
      %dma_start3A_66 = tpu.memref_slice %arg3[%mul3A_4, %dma_start3A_65] : memref<10240x32xi32, #tpu.memory_space<hbm>> -> memref<320x32xi32, #tpu.memory_space<hbm>>
      tpu.enqueue_dma source(%dma_start3A_66 : memref<320x32xi32, #tpu.memory_space<hbm>>) target(%arg8 : memref<320x32xi32, #tpu.memory_space<vmem>>) target_semaphore(%run_scoped3A : memref<!tpu.dma_semaphore, #tpu.memory_space<semaphore_mem>>)
      %dma_wait3A = arith.constant 0 : i32
      %dma_wait3A_67 = tpu.memref_slice %arg3[%mul3A_4, %dma_wait3A] : memref<10240x32xi32, #tpu.memory_space<hbm>> -> memref<320x32xi32, #tpu.memory_space<hbm>>
      %dma_wait3A_68 = arith.constant 0 : i32
      %dma_wait3A_69 = tpu.memref_slice %arg3[%mul3A_4, %dma_wait3A_68] : memref<10240x32xi32, #tpu.memory_space<hbm>> -> memref<320x32xi32, #tpu.memory_space<hbm>>
      tpu.wait_dma2 semaphore(%run_scoped3A : memref<!tpu.dma_semaphore, #tpu.memory_space<semaphore_mem>>) src(%dma_wait3A_69 : memref<320x32xi32, #tpu.memory_space<hbm>>) dst(%arg8 : memref<320x32xi32, #tpu.memory_space<vmem>>)
      tpu.yield
    }) : () -> ()
    %mul3A_5 = arith.constant 632 : i32
    %mul3A_6 = arith.muli %arg1, %mul3A_5 : i32
    %eq3A = arith.constant 0 : i32
    %eq3A_7 = arith.cmpi eq, %arg0, %eq3A : i32
    %convert_element_type3A = arith.extui %eq3A_7 : i1 to i32
    %cond3A = arith.constant 0 : i32
    %cond3A_8 = arith.cmpi ne, %convert_element_type3A, %cond3A : i32
    scf.if %cond3A_8 {
      "tpu.region"() ({
        %run_scoped3A = tpu.sem_alloc : memref<!tpu.dma_semaphore, #tpu.memory_space<semaphore_mem>>
        %dma_start3A_63 = arith.constant 0 : i32
        %dma_start3A_64 = tpu.memref_slice %arg10[%mul3A_6, %dma_start3A_63] : memref<10112x128xf32, #tpu.memory_space<vmem_shared>> -> memref<632x128xf32, #tpu.memory_space<vmem_shared>>
        %dma_start3A_65 = arith.constant 0 : i32
        %dma_start3A_66 = tpu.memref_slice %arg4[%mul3A_6, %dma_start3A_65] : memref<10112x128xf32, #tpu.memory_space<hbm>> -> memref<632x128xf32, #tpu.memory_space<hbm>>
        tpu.enqueue_dma source(%dma_start3A_66 : memref<632x128xf32, #tpu.memory_space<hbm>>) target(%dma_start3A_64 : memref<632x128xf32, #tpu.memory_space<vmem_shared>>) target_semaphore(%run_scoped3A : memref<!tpu.dma_semaphore, #tpu.memory_space<semaphore_mem>>)
        %dma_wait3A = arith.constant 0 : i32
        %dma_wait3A_67 = tpu.memref_slice %arg10[%mul3A_6, %dma_wait3A] : memref<10112x128xf32, #tpu.memory_space<vmem_shared>> -> memref<632x128xf32, #tpu.memory_space<vmem_shared>>
        %dma_wait3A_68 = arith.constant 0 : i32
        %dma_wait3A_69 = tpu.memref_slice %arg4[%mul3A_6, %dma_wait3A_68] : memref<10112x128xf32, #tpu.memory_space<hbm>> -> memref<632x128xf32, #tpu.memory_space<hbm>>
        tpu.wait_dma2 semaphore(%run_scoped3A : memref<!tpu.dma_semaphore, #tpu.memory_space<semaphore_mem>>) src(%dma_wait3A_69 : memref<632x128xf32, #tpu.memory_space<hbm>>) dst(%dma_wait3A_67 : memref<632x128xf32, #tpu.memory_space<vmem_shared>>)
        tpu.yield
      }) : () -> ()
    } else {
    }
    %eq3A_9 = arith.constant 1 : i32
    %eq3A_10 = arith.cmpi eq, %arg0, %eq3A_9 : i32
    %convert_element_type3A_11 = arith.extui %eq3A_10 : i1 to i32
    %cond3A_12 = arith.constant 0 : i32
    %cond3A_13 = arith.cmpi ne, %convert_element_type3A_11, %cond3A_12 : i32
    scf.if %cond3A_13 {
      "tpu.region"() ({
        %run_scoped3A = tpu.sem_alloc : memref<!tpu.dma_semaphore, #tpu.memory_space<semaphore_mem>>
        %dma_start3A_63 = arith.constant 0 : i32
        %dma_start3A_64 = tpu.memref_slice %arg10[%mul3A_6, %dma_start3A_63] : memref<10112x128xf32, #tpu.memory_space<vmem_shared>> -> memref<632x128xf32, #tpu.memory_space<vmem_shared>>
        tpu.enqueue_dma source(%arg5 : memref<632x128xf32, #tpu.memory_space<hbm>>) target(%dma_start3A_64 : memref<632x128xf32, #tpu.memory_space<vmem_shared>>) target_semaphore(%run_scoped3A : memref<!tpu.dma_semaphore, #tpu.memory_space<semaphore_mem>>)
        %dma_wait3A = arith.constant 0 : i32
        %dma_wait3A_65 = tpu.memref_slice %arg10[%mul3A_6, %dma_wait3A] : memref<10112x128xf32, #tpu.memory_space<vmem_shared>> -> memref<632x128xf32, #tpu.memory_space<vmem_shared>>
        tpu.wait_dma2 semaphore(%run_scoped3A : memref<!tpu.dma_semaphore, #tpu.memory_space<semaphore_mem>>) src(%arg5 : memref<632x128xf32, #tpu.memory_space<hbm>>) dst(%dma_wait3A_65 : memref<632x128xf32, #tpu.memory_space<vmem_shared>>)
        tpu.yield
      }) : () -> ()
    } else {
    }
    %dma_start3A = arith.constant 0 : i32
    %dma_start3A_14 = arith.constant 0 : i32
    %dma_start3A_15 = arith.constant 0 : i32
    %dma_start3A_16 = tpu.memref_slice %arg9[%dma_start3A, %dma_start3A_14, %dma_start3A_15] : memref<5x32x128xf32, #tpu.memory_space<vmem>> -> memref<1x32x128xf32, #tpu.memory_space<vmem>>
    %dma_start3A_17 = tpu.memref_squeeze %dma_start3A_16 : memref<1x32x128xf32, #tpu.memory_space<vmem>> -> memref<32x128xf32, #tpu.memory_space<vmem>>
    %dma_start3A_18 = arith.constant 0 : i32
    %dma_start3A_19 = tpu.memref_slice %arg7[%dma_start3A_18] : memref<10240xi32, #tpu.memory_space<vmem>> -> memref<32xi32, #tpu.memory_space<vmem>>
    %dma_start3A_20 = arith.constant 0 : i32
    %dma_start3A_21 = arith.constant 0 : i32
    %dma_start3A_22 = tpu.memref_slice %arg4[%dma_start3A_20, %dma_start3A_21] : memref<10112x128xf32, #tpu.memory_space<hbm>> -> memref<10112x128xf32, #tpu.memory_space<hbm>>
    tpu.enqueue_indirect_dma source(%dma_start3A_22 : memref<10112x128xf32, #tpu.memory_space<hbm>>) target(%dma_start3A_17 : memref<32x128xf32, #tpu.memory_space<vmem>>) offsets(%dma_start3A_19 : memref<32xi32, #tpu.memory_space<vmem>>) semaphore(%arg11 : memref<!tpu.dma_semaphore, #tpu.memory_space<semaphore_mem>>)
    %dma_start3A_23 = arith.constant 1 : i32
    %dma_start3A_24 = arith.constant 0 : i32
    %dma_start3A_25 = arith.constant 0 : i32
    %dma_start3A_26 = tpu.memref_slice %arg9[%dma_start3A_23, %dma_start3A_24, %dma_start3A_25] : memref<5x32x128xf32, #tpu.memory_space<vmem>> -> memref<1x32x128xf32, #tpu.memory_space<vmem>>
    %dma_start3A_27 = tpu.memref_squeeze %dma_start3A_26 : memref<1x32x128xf32, #tpu.memory_space<vmem>> -> memref<32x128xf32, #tpu.memory_space<vmem>>
    %dma_start3A_28 = arith.constant 32 : i32
    %dma_start3A_29 = tpu.memref_slice %arg7[%dma_start3A_28] : memref<10240xi32, #tpu.memory_space<vmem>> -> memref<32xi32, #tpu.memory_space<vmem>>
    %dma_start3A_30 = arith.constant 0 : i32
    %dma_start3A_31 = arith.constant 0 : i32
    %dma_start3A_32 = tpu.memref_slice %arg4[%dma_start3A_30, %dma_start3A_31] : memref<10112x128xf32, #tpu.memory_space<hbm>> -> memref<10112x128xf32, #tpu.memory_space<hbm>>
    tpu.enqueue_indirect_dma source(%dma_start3A_32 : memref<10112x128xf32, #tpu.memory_space<hbm>>) target(%dma_start3A_27 : memref<32x128xf32, #tpu.memory_space<vmem>>) offsets(%dma_start3A_29 : memref<32xi32, #tpu.memory_space<vmem>>) semaphore(%arg12 : memref<!tpu.dma_semaphore, #tpu.memory_space<semaphore_mem>>)
    %dma_start3A_33 = arith.constant 2 : i32
    %dma_start3A_34 = arith.constant 0 : i32
    %dma_start3A_35 = arith.constant 0 : i32
    %dma_start3A_36 = tpu.memref_slice %arg9[%dma_start3A_33, %dma_start3A_34, %dma_start3A_35] : memref<5x32x128xf32, #tpu.memory_space<vmem>> -> memref<1x32x128xf32, #tpu.memory_space<vmem>>
    %dma_start3A_37 = tpu.memref_squeeze %dma_start3A_36 : memref<1x32x128xf32, #tpu.memory_space<vmem>> -> memref<32x128xf32, #tpu.memory_space<vmem>>
    %dma_start3A_38 = arith.constant 64 : i32
    %dma_start3A_39 = tpu.memref_slice %arg7[%dma_start3A_38] : memref<10240xi32, #tpu.memory_space<vmem>> -> memref<32xi32, #tpu.memory_space<vmem>>
    %dma_start3A_40 = arith.constant 0 : i32
    %dma_start3A_41 = arith.constant 0 : i32
    %dma_start3A_42 = tpu.memref_slice %arg4[%dma_start3A_40, %dma_start3A_41] : memref<10112x128xf32, #tpu.memory_space<hbm>> -> memref<10112x128xf32, #tpu.memory_space<hbm>>
    tpu.enqueue_indirect_dma source(%dma_start3A_42 : memref<10112x128xf32, #tpu.memory_space<hbm>>) target(%dma_start3A_37 : memref<32x128xf32, #tpu.memory_space<vmem>>) offsets(%dma_start3A_39 : memref<32xi32, #tpu.memory_space<vmem>>) semaphore(%arg13 : memref<!tpu.dma_semaphore, #tpu.memory_space<semaphore_mem>>)
    %dma_start3A_43 = arith.constant 3 : i32
    %dma_start3A_44 = arith.constant 0 : i32
    %dma_start3A_45 = arith.constant 0 : i32
    %dma_start3A_46 = tpu.memref_slice %arg9[%dma_start3A_43, %dma_start3A_44, %dma_start3A_45] : memref<5x32x128xf32, #tpu.memory_space<vmem>> -> memref<1x32x128xf32, #tpu.memory_space<vmem>>
    %dma_start3A_47 = tpu.memref_squeeze %dma_start3A_46 : memref<1x32x128xf32, #tpu.memory_space<vmem>> -> memref<32x128xf32, #tpu.memory_space<vmem>>
    %dma_start3A_48 = arith.constant 96 : i32
    %dma_start3A_49 = tpu.memref_slice %arg7[%dma_start3A_48] : memref<10240xi32, #tpu.memory_space<vmem>> -> memref<32xi32, #tpu.memory_space<vmem>>
    %dma_start3A_50 = arith.constant 0 : i32
    %dma_start3A_51 = arith.constant 0 : i32
    %dma_start3A_52 = tpu.memref_slice %arg4[%dma_start3A_50, %dma_start3A_51] : memref<10112x128xf32, #tpu.memory_space<hbm>> -> memref<10112x128xf32, #tpu.memory_space<hbm>>
    tpu.enqueue_indirect_dma source(%dma_start3A_52 : memref<10112x128xf32, #tpu.memory_space<hbm>>) target(%dma_start3A_47 : memref<32x128xf32, #tpu.memory_space<vmem>>) offsets(%dma_start3A_49 : memref<32xi32, #tpu.memory_space<vmem>>) semaphore(%arg14 : memref<!tpu.dma_semaphore, #tpu.memory_space<semaphore_mem>>)
    %barrier3A = arith.constant 0 : index
    tpu.barrier barrier_id(%barrier3A)
    %scan3A = arith.constant 0 : i32
    %scan3A_53 = arith.constant 0 : i32
    %scan3A_54 = arith.constant 64 : i32
    %scan3A_55 = arith.addi %scan3A_53, %scan3A_54 : i32
    %scan3A_56 = arith.constant 1 : i32
    scf.for %scan3A_63 = %scan3A_53 to %scan3A_55 step %scan3A_56  : i32 {
      %mul3A_64 = arith.constant 5 : i32
      %mul3A_65 = arith.muli %scan3A_63, %mul3A_64 : i32
      %add3A_66 = arith.constant 0 : i32
      %add3A_67 = arith.addi %mul3A_65, %add3A_66 : i32
      %add3A_68 = arith.constant 5 : i32
      %add3A_69 = arith.addi %add3A_67, %add3A_68 : i32
      %sub3A = arith.constant 1 : i32
      %sub3A_70 = arith.subi %add3A_69, %sub3A : i32
      %lt3A = arith.constant 320 : i32
      %lt3A_71 = arith.cmpi slt, %sub3A_70, %lt3A : i32
      %convert_element_type3A_72 = arith.extui %lt3A_71 : i1 to i32
      %cond3A_73 = arith.constant 0 : i32
      %cond3A_74 = arith.cmpi ne, %convert_element_type3A_72, %cond3A_73 : i32
      scf.if %cond3A_74 {
        %mul3A_172 = arith.constant 32 : i32
        %mul3A_173 = arith.muli %sub3A_70, %mul3A_172 : i32
        %dma_start3A_174 = arith.constant 4 : i32
        %dma_start3A_175 = arith.constant 0 : i32
        %dma_start3A_176 = arith.constant 0 : i32
        %dma_start3A_177 = tpu.memref_slice %arg9[%dma_start3A_174, %dma_start3A_175, %dma_start3A_176] : memref<5x32x128xf32, #tpu.memory_space<vmem>> -> memref<1x32x128xf32, #tpu.memory_space<vmem>>
        %dma_start3A_178 = tpu.memref_squeeze %dma_start3A_177 : memref<1x32x128xf32, #tpu.memory_space<vmem>> -> memref<32x128xf32, #tpu.memory_space<vmem>>
        %dma_start3A_179 = tpu.memref_slice %arg7[%mul3A_173] : memref<10240xi32, #tpu.memory_space<vmem>> -> memref<32xi32, #tpu.memory_space<vmem>>
        %dma_start3A_180 = arith.constant 0 : i32
        %dma_start3A_181 = arith.constant 0 : i32
        %dma_start3A_182 = tpu.memref_slice %arg4[%dma_start3A_180, %dma_start3A_181] : memref<10112x128xf32, #tpu.memory_space<hbm>> -> memref<10112x128xf32, #tpu.memory_space<hbm>>
        tpu.enqueue_indirect_dma source(%dma_start3A_182 : memref<10112x128xf32, #tpu.memory_space<hbm>>) target(%dma_start3A_178 : memref<32x128xf32, #tpu.memory_space<vmem>>) offsets(%dma_start3A_179 : memref<32xi32, #tpu.memory_space<vmem>>) semaphore(%arg15 : memref<!tpu.dma_semaphore, #tpu.memory_space<semaphore_mem>>)
      } else {
      }
      %dma_wait3A = arith.constant 0 : i32
      %dma_wait3A_75 = arith.constant 0 : i32
      %dma_wait3A_76 = arith.constant 0 : i32
      %dma_wait3A_77 = tpu.memref_slice %arg9[%dma_wait3A, %dma_wait3A_75, %dma_wait3A_76] : memref<5x32x128xf32, #tpu.memory_space<vmem>> -> memref<1x32x128xf32, #tpu.memory_space<vmem>>
      %dma_wait3A_78 = tpu.memref_squeeze %dma_wait3A_77 : memref<1x32x128xf32, #tpu.memory_space<vmem>> -> memref<32x128xf32, #tpu.memory_space<vmem>>
      %dma_wait3A_79 = arith.constant 0 : i32
      %dma_wait3A_80 = tpu.memref_slice %arg7[%dma_wait3A_79] : memref<10240xi32, #tpu.memory_space<vmem>> -> memref<32xi32, #tpu.memory_space<vmem>>
      %dma_wait3A_81 = arith.constant 0 : i32
      %dma_wait3A_82 = arith.constant 0 : i32
      %dma_wait3A_83 = tpu.memref_slice %arg4[%dma_wait3A_81, %dma_wait3A_82] : memref<10112x128xf32, #tpu.memory_space<hbm>> -> memref<10112x128xf32, #tpu.memory_space<hbm>>
      tpu.wait_indirect_dma semaphore(%arg11 : memref<!tpu.dma_semaphore, #tpu.memory_space<semaphore_mem>>) src(%dma_wait3A_83 : memref<10112x128xf32, #tpu.memory_space<hbm>>) dst(%dma_wait3A_78 : memref<32x128xf32, #tpu.memory_space<vmem>>)
      %run_scoped3A = arith.constant 0 : i32
      "tpu.region"() ({
        %run_scoped3A_172 = tpu.sem_alloc : memref<!tpu.dma_semaphore, #tpu.memory_space<semaphore_mem>>
        %dma_start3A_173 = arith.constant 0 : i32
        %dma_start3A_174 = arith.constant 0 : i32
        %dma_start3A_175 = tpu.memref_slice %arg9[%run_scoped3A, %dma_start3A_173, %dma_start3A_174] : memref<5x32x128xf32, #tpu.memory_space<vmem>> -> memref<1x32x128xf32, #tpu.memory_space<vmem>>
        %dma_start3A_176 = tpu.memref_squeeze %dma_start3A_175 : memref<1x32x128xf32, #tpu.memory_space<vmem>> -> memref<32x128xf32, #tpu.memory_space<vmem>>
        %dma_start3A_177 = arith.constant 0 : i32
        %dma_start3A_178 = tpu.memref_slice %arg8[%add3A_67, %dma_start3A_177] : memref<320x32xi32, #tpu.memory_space<vmem>> -> memref<1x32xi32, #tpu.memory_space<vmem>>
        %dma_start3A_179 = tpu.memref_squeeze %dma_start3A_178 : memref<1x32xi32, #tpu.memory_space<vmem>> -> memref<32xi32, #tpu.memory_space<vmem>>
        %dma_start3A_180 = arith.constant 0 : i32
        %dma_start3A_181 = arith.constant 0 : i32
        %dma_start3A_182 = tpu.memref_slice %arg10[%dma_start3A_180, %dma_start3A_181] : memref<10112x128xf32, #tpu.memory_space<vmem_shared>> -> memref<10112x128xf32, #tpu.memory_space<vmem_shared>>
        tpu.enqueue_indirect_dma source(%dma_start3A_176 : memref<32x128xf32, #tpu.memory_space<vmem>>) target(%dma_start3A_182 : memref<10112x128xf32, #tpu.memory_space<vmem_shared>>) offsets(%dma_start3A_179 : memref<32xi32, #tpu.memory_space<vmem>>) semaphore(%run_scoped3A_172 : memref<!tpu.dma_semaphore, #tpu.memory_space<semaphore_mem>>) {add = true}
        %dma_wait3A_183 = arith.constant 0 : i32
        %dma_wait3A_184 = arith.constant 0 : i32
        %dma_wait3A_185 = tpu.memref_slice %arg9[%run_scoped3A, %dma_wait3A_183, %dma_wait3A_184] : memref<5x32x128xf32, #tpu.memory_space<vmem>> -> memref<1x32x128xf32, #tpu.memory_space<vmem>>
        %dma_wait3A_186 = tpu.memref_squeeze %dma_wait3A_185 : memref<1x32x128xf32, #tpu.memory_space<vmem>> -> memref<32x128xf32, #tpu.memory_space<vmem>>
        %dma_wait3A_187 = arith.constant 0 : i32
        %dma_wait3A_188 = tpu.memref_slice %arg8[%add3A_67, %dma_wait3A_187] : memref<320x32xi32, #tpu.memory_space<vmem>> -> memref<1x32xi32, #tpu.memory_space<vmem>>
        %dma_wait3A_189 = tpu.memref_squeeze %dma_wait3A_188 : memref<1x32xi32, #tpu.memory_space<vmem>> -> memref<32xi32, #tpu.memory_space<vmem>>
        %dma_wait3A_190 = arith.constant 0 : i32
        %dma_wait3A_191 = arith.constant 0 : i32
        %dma_wait3A_192 = tpu.memref_slice %arg10[%dma_wait3A_190, %dma_wait3A_191] : memref<10112x128xf32, #tpu.memory_space<vmem_shared>> -> memref<10112x128xf32, #tpu.memory_space<vmem_shared>>
        tpu.wait_indirect_dma semaphore(%run_scoped3A_172 : memref<!tpu.dma_semaphore, #tpu.memory_space<semaphore_mem>>) src(%dma_wait3A_186 : memref<32x128xf32, #tpu.memory_space<vmem>>) dst(%dma_wait3A_192 : memref<10112x128xf32, #tpu.memory_space<vmem_shared>>)
        tpu.yield
      }) : () -> ()
      %add3A_84 = arith.constant 1 : i32
      %add3A_85 = arith.addi %mul3A_65, %add3A_84 : i32
      %add3A_86 = arith.constant 5 : i32
      %add3A_87 = arith.addi %add3A_85, %add3A_86 : i32
      %sub3A_88 = arith.constant 1 : i32
      %sub3A_89 = arith.subi %add3A_87, %sub3A_88 : i32
      %lt3A_90 = arith.constant 320 : i32
      %lt3A_91 = arith.cmpi slt, %sub3A_89, %lt3A_90 : i32
      %convert_element_type3A_92 = arith.extui %lt3A_91 : i1 to i32
      %cond3A_93 = arith.constant 0 : i32
      %cond3A_94 = arith.cmpi ne, %convert_element_type3A_92, %cond3A_93 : i32
      scf.if %cond3A_94 {
        %mul3A_172 = arith.constant 32 : i32
        %mul3A_173 = arith.muli %sub3A_89, %mul3A_172 : i32
        %dma_start3A_174 = arith.constant 0 : i32
        %dma_start3A_175 = arith.constant 0 : i32
        %dma_start3A_176 = arith.constant 0 : i32
        %dma_start3A_177 = tpu.memref_slice %arg9[%dma_start3A_174, %dma_start3A_175, %dma_start3A_176] : memref<5x32x128xf32, #tpu.memory_space<vmem>> -> memref<1x32x128xf32, #tpu.memory_space<vmem>>
        %dma_start3A_178 = tpu.memref_squeeze %dma_start3A_177 : memref<1x32x128xf32, #tpu.memory_space<vmem>> -> memref<32x128xf32, #tpu.memory_space<vmem>>
        %dma_start3A_179 = tpu.memref_slice %arg7[%mul3A_173] : memref<10240xi32, #tpu.memory_space<vmem>> -> memref<32xi32, #tpu.memory_space<vmem>>
        %dma_start3A_180 = arith.constant 0 : i32
        %dma_start3A_181 = arith.constant 0 : i32
        %dma_start3A_182 = tpu.memref_slice %arg4[%dma_start3A_180, %dma_start3A_181] : memref<10112x128xf32, #tpu.memory_space<hbm>> -> memref<10112x128xf32, #tpu.memory_space<hbm>>
        tpu.enqueue_indirect_dma source(%dma_start3A_182 : memref<10112x128xf32, #tpu.memory_space<hbm>>) target(%dma_start3A_178 : memref<32x128xf32, #tpu.memory_space<vmem>>) offsets(%dma_start3A_179 : memref<32xi32, #tpu.memory_space<vmem>>) semaphore(%arg11 : memref<!tpu.dma_semaphore, #tpu.memory_space<semaphore_mem>>)
      } else {
      }
      %dma_wait3A_95 = arith.constant 1 : i32
      %dma_wait3A_96 = arith.constant 0 : i32
      %dma_wait3A_97 = arith.constant 0 : i32
      %dma_wait3A_98 = tpu.memref_slice %arg9[%dma_wait3A_95, %dma_wait3A_96, %dma_wait3A_97] : memref<5x32x128xf32, #tpu.memory_space<vmem>> -> memref<1x32x128xf32, #tpu.memory_space<vmem>>
      %dma_wait3A_99 = tpu.memref_squeeze %dma_wait3A_98 : memref<1x32x128xf32, #tpu.memory_space<vmem>> -> memref<32x128xf32, #tpu.memory_space<vmem>>
      %dma_wait3A_100 = arith.constant 0 : i32
      %dma_wait3A_101 = tpu.memref_slice %arg7[%dma_wait3A_100] : memref<10240xi32, #tpu.memory_space<vmem>> -> memref<32xi32, #tpu.memory_space<vmem>>
      %dma_wait3A_102 = arith.constant 0 : i32
      %dma_wait3A_103 = arith.constant 0 : i32
      %dma_wait3A_104 = tpu.memref_slice %arg4[%dma_wait3A_102, %dma_wait3A_103] : memref<10112x128xf32, #tpu.memory_space<hbm>> -> memref<10112x128xf32, #tpu.memory_space<hbm>>
      tpu.wait_indirect_dma semaphore(%arg12 : memref<!tpu.dma_semaphore, #tpu.memory_space<semaphore_mem>>) src(%dma_wait3A_104 : memref<10112x128xf32, #tpu.memory_space<hbm>>) dst(%dma_wait3A_99 : memref<32x128xf32, #tpu.memory_space<vmem>>)
      %run_scoped3A_105 = arith.constant 1 : i32
      "tpu.region"() ({
        %run_scoped3A_172 = tpu.sem_alloc : memref<!tpu.dma_semaphore, #tpu.memory_space<semaphore_mem>>
        %dma_start3A_173 = arith.constant 0 : i32
        %dma_start3A_174 = arith.constant 0 : i32
        %dma_start3A_175 = tpu.memref_slice %arg9[%run_scoped3A_105, %dma_start3A_173, %dma_start3A_174] : memref<5x32x128xf32, #tpu.memory_space<vmem>> -> memref<1x32x128xf32, #tpu.memory_space<vmem>>
        %dma_start3A_176 = tpu.memref_squeeze %dma_start3A_175 : memref<1x32x128xf32, #tpu.memory_space<vmem>> -> memref<32x128xf32, #tpu.memory_space<vmem>>
        %dma_start3A_177 = arith.constant 0 : i32
        %dma_start3A_178 = tpu.memref_slice %arg8[%add3A_85, %dma_start3A_177] : memref<320x32xi32, #tpu.memory_space<vmem>> -> memref<1x32xi32, #tpu.memory_space<vmem>>
        %dma_start3A_179 = tpu.memref_squeeze %dma_start3A_178 : memref<1x32xi32, #tpu.memory_space<vmem>> -> memref<32xi32, #tpu.memory_space<vmem>>
        %dma_start3A_180 = arith.constant 0 : i32
        %dma_start3A_181 = arith.constant 0 : i32
        %dma_start3A_182 = tpu.memref_slice %arg10[%dma_start3A_180, %dma_start3A_181] : memref<10112x128xf32, #tpu.memory_space<vmem_shared>> -> memref<10112x128xf32, #tpu.memory_space<vmem_shared>>
        tpu.enqueue_indirect_dma source(%dma_start3A_176 : memref<32x128xf32, #tpu.memory_space<vmem>>) target(%dma_start3A_182 : memref<10112x128xf32, #tpu.memory_space<vmem_shared>>) offsets(%dma_start3A_179 : memref<32xi32, #tpu.memory_space<vmem>>) semaphore(%run_scoped3A_172 : memref<!tpu.dma_semaphore, #tpu.memory_space<semaphore_mem>>) {add = true}
        %dma_wait3A_183 = arith.constant 0 : i32
        %dma_wait3A_184 = arith.constant 0 : i32
        %dma_wait3A_185 = tpu.memref_slice %arg9[%run_scoped3A_105, %dma_wait3A_183, %dma_wait3A_184] : memref<5x32x128xf32, #tpu.memory_space<vmem>> -> memref<1x32x128xf32, #tpu.memory_space<vmem>>
        %dma_wait3A_186 = tpu.memref_squeeze %dma_wait3A_185 : memref<1x32x128xf32, #tpu.memory_space<vmem>> -> memref<32x128xf32, #tpu.memory_space<vmem>>
        %dma_wait3A_187 = arith.constant 0 : i32
        %dma_wait3A_188 = tpu.memref_slice %arg8[%add3A_85, %dma_wait3A_187] : memref<320x32xi32, #tpu.memory_space<vmem>> -> memref<1x32xi32, #tpu.memory_space<vmem>>
        %dma_wait3A_189 = tpu.memref_squeeze %dma_wait3A_188 : memref<1x32xi32, #tpu.memory_space<vmem>> -> memref<32xi32, #tpu.memory_space<vmem>>
        %dma_wait3A_190 = arith.constant 0 : i32
        %dma_wait3A_191 = arith.constant 0 : i32
        %dma_wait3A_192 = tpu.memref_slice %arg10[%dma_wait3A_190, %dma_wait3A_191] : memref<10112x128xf32, #tpu.memory_space<vmem_shared>> -> memref<10112x128xf32, #tpu.memory_space<vmem_shared>>
        tpu.wait_indirect_dma semaphore(%run_scoped3A_172 : memref<!tpu.dma_semaphore, #tpu.memory_space<semaphore_mem>>) src(%dma_wait3A_186 : memref<32x128xf32, #tpu.memory_space<vmem>>) dst(%dma_wait3A_192 : memref<10112x128xf32, #tpu.memory_space<vmem_shared>>)
        tpu.yield
      }) : () -> ()
      %add3A_106 = arith.constant 2 : i32
      %add3A_107 = arith.addi %mul3A_65, %add3A_106 : i32
      %add3A_108 = arith.constant 5 : i32
      %add3A_109 = arith.addi %add3A_107, %add3A_108 : i32
      %sub3A_110 = arith.constant 1 : i32
      %sub3A_111 = arith.subi %add3A_109, %sub3A_110 : i32
      %lt3A_112 = arith.constant 320 : i32
      %lt3A_113 = arith.cmpi slt, %sub3A_111, %lt3A_112 : i32
      %convert_element_type3A_114 = arith.extui %lt3A_113 : i1 to i32
      %cond3A_115 = arith.constant 0 : i32
      %cond3A_116 = arith.cmpi ne, %convert_element_type3A_114, %cond3A_115 : i32
      scf.if %cond3A_116 {
        %mul3A_172 = arith.constant 32 : i32
        %mul3A_173 = arith.muli %sub3A_111, %mul3A_172 : i32
        %dma_start3A_174 = arith.constant 1 : i32
        %dma_start3A_175 = arith.constant 0 : i32
        %dma_start3A_176 = arith.constant 0 : i32
        %dma_start3A_177 = tpu.memref_slice %arg9[%dma_start3A_174, %dma_start3A_175, %dma_start3A_176] : memref<5x32x128xf32, #tpu.memory_space<vmem>> -> memref<1x32x128xf32, #tpu.memory_space<vmem>>
        %dma_start3A_178 = tpu.memref_squeeze %dma_start3A_177 : memref<1x32x128xf32, #tpu.memory_space<vmem>> -> memref<32x128xf32, #tpu.memory_space<vmem>>
        %dma_start3A_179 = tpu.memref_slice %arg7[%mul3A_173] : memref<10240xi32, #tpu.memory_space<vmem>> -> memref<32xi32, #tpu.memory_space<vmem>>
        %dma_start3A_180 = arith.constant 0 : i32
        %dma_start3A_181 = arith.constant 0 : i32
        %dma_start3A_182 = tpu.memref_slice %arg4[%dma_start3A_180, %dma_start3A_181] : memref<10112x128xf32, #tpu.memory_space<hbm>> -> memref<10112x128xf32, #tpu.memory_space<hbm>>
        tpu.enqueue_indirect_dma source(%dma_start3A_182 : memref<10112x128xf32, #tpu.memory_space<hbm>>) target(%dma_start3A_178 : memref<32x128xf32, #tpu.memory_space<vmem>>) offsets(%dma_start3A_179 : memref<32xi32, #tpu.memory_space<vmem>>) semaphore(%arg12 : memref<!tpu.dma_semaphore, #tpu.memory_space<semaphore_mem>>)
      } else {
      }
      %dma_wait3A_117 = arith.constant 2 : i32
      %dma_wait3A_118 = arith.constant 0 : i32
      %dma_wait3A_119 = arith.constant 0 : i32
      %dma_wait3A_120 = tpu.memref_slice %arg9[%dma_wait3A_117, %dma_wait3A_118, %dma_wait3A_119] : memref<5x32x128xf32, #tpu.memory_space<vmem>> -> memref<1x32x128xf32, #tpu.memory_space<vmem>>
      %dma_wait3A_121 = tpu.memref_squeeze %dma_wait3A_120 : memref<1x32x128xf32, #tpu.memory_space<vmem>> -> memref<32x128xf32, #tpu.memory_space<vmem>>
      %dma_wait3A_122 = arith.constant 0 : i32
      %dma_wait3A_123 = tpu.memref_slice %arg7[%dma_wait3A_122] : memref<10240xi32, #tpu.memory_space<vmem>> -> memref<32xi32, #tpu.memory_space<vmem>>
      %dma_wait3A_124 = arith.constant 0 : i32
      %dma_wait3A_125 = arith.constant 0 : i32
      %dma_wait3A_126 = tpu.memref_slice %arg4[%dma_wait3A_124, %dma_wait3A_125] : memref<10112x128xf32, #tpu.memory_space<hbm>> -> memref<10112x128xf32, #tpu.memory_space<hbm>>
      tpu.wait_indirect_dma semaphore(%arg13 : memref<!tpu.dma_semaphore, #tpu.memory_space<semaphore_mem>>) src(%dma_wait3A_126 : memref<10112x128xf32, #tpu.memory_space<hbm>>) dst(%dma_wait3A_121 : memref<32x128xf32, #tpu.memory_space<vmem>>)
      %run_scoped3A_127 = arith.constant 2 : i32
      "tpu.region"() ({
        %run_scoped3A_172 = tpu.sem_alloc : memref<!tpu.dma_semaphore, #tpu.memory_space<semaphore_mem>>
        %dma_start3A_173 = arith.constant 0 : i32
        %dma_start3A_174 = arith.constant 0 : i32
        %dma_start3A_175 = tpu.memref_slice %arg9[%run_scoped3A_127, %dma_start3A_173, %dma_start3A_174] : memref<5x32x128xf32, #tpu.memory_space<vmem>> -> memref<1x32x128xf32, #tpu.memory_space<vmem>>
        %dma_start3A_176 = tpu.memref_squeeze %dma_start3A_175 : memref<1x32x128xf32, #tpu.memory_space<vmem>> -> memref<32x128xf32, #tpu.memory_space<vmem>>
        %dma_start3A_177 = arith.constant 0 : i32
        %dma_start3A_178 = tpu.memref_slice %arg8[%add3A_107, %dma_start3A_177] : memref<320x32xi32, #tpu.memory_space<vmem>> -> memref<1x32xi32, #tpu.memory_space<vmem>>
        %dma_start3A_179 = tpu.memref_squeeze %dma_start3A_178 : memref<1x32xi32, #tpu.memory_space<vmem>> -> memref<32xi32, #tpu.memory_space<vmem>>
        %dma_start3A_180 = arith.constant 0 : i32
        %dma_start3A_181 = arith.constant 0 : i32
        %dma_start3A_182 = tpu.memref_slice %arg10[%dma_start3A_180, %dma_start3A_181] : memref<10112x128xf32, #tpu.memory_space<vmem_shared>> -> memref<10112x128xf32, #tpu.memory_space<vmem_shared>>
        tpu.enqueue_indirect_dma source(%dma_start3A_176 : memref<32x128xf32, #tpu.memory_space<vmem>>) target(%dma_start3A_182 : memref<10112x128xf32, #tpu.memory_space<vmem_shared>>) offsets(%dma_start3A_179 : memref<32xi32, #tpu.memory_space<vmem>>) semaphore(%run_scoped3A_172 : memref<!tpu.dma_semaphore, #tpu.memory_space<semaphore_mem>>) {add = true}
        %dma_wait3A_183 = arith.constant 0 : i32
        %dma_wait3A_184 = arith.constant 0 : i32
        %dma_wait3A_185 = tpu.memref_slice %arg9[%run_scoped3A_127, %dma_wait3A_183, %dma_wait3A_184] : memref<5x32x128xf32, #tpu.memory_space<vmem>> -> memref<1x32x128xf32, #tpu.memory_space<vmem>>
        %dma_wait3A_186 = tpu.memref_squeeze %dma_wait3A_185 : memref<1x32x128xf32, #tpu.memory_space<vmem>> -> memref<32x128xf32, #tpu.memory_space<vmem>>
        %dma_wait3A_187 = arith.constant 0 : i32
        %dma_wait3A_188 = tpu.memref_slice %arg8[%add3A_107, %dma_wait3A_187] : memref<320x32xi32, #tpu.memory_space<vmem>> -> memref<1x32xi32, #tpu.memory_space<vmem>>
        %dma_wait3A_189 = tpu.memref_squeeze %dma_wait3A_188 : memref<1x32xi32, #tpu.memory_space<vmem>> -> memref<32xi32, #tpu.memory_space<vmem>>
        %dma_wait3A_190 = arith.constant 0 : i32
        %dma_wait3A_191 = arith.constant 0 : i32
        %dma_wait3A_192 = tpu.memref_slice %arg10[%dma_wait3A_190, %dma_wait3A_191] : memref<10112x128xf32, #tpu.memory_space<vmem_shared>> -> memref<10112x128xf32, #tpu.memory_space<vmem_shared>>
        tpu.wait_indirect_dma semaphore(%run_scoped3A_172 : memref<!tpu.dma_semaphore, #tpu.memory_space<semaphore_mem>>) src(%dma_wait3A_186 : memref<32x128xf32, #tpu.memory_space<vmem>>) dst(%dma_wait3A_192 : memref<10112x128xf32, #tpu.memory_space<vmem_shared>>)
        tpu.yield
      }) : () -> ()
      %add3A_128 = arith.constant 3 : i32
      %add3A_129 = arith.addi %mul3A_65, %add3A_128 : i32
      %add3A_130 = arith.constant 5 : i32
      %add3A_131 = arith.addi %add3A_129, %add3A_130 : i32
      %sub3A_132 = arith.constant 1 : i32
      %sub3A_133 = arith.subi %add3A_131, %sub3A_132 : i32
      %lt3A_134 = arith.constant 320 : i32
      %lt3A_135 = arith.cmpi slt, %sub3A_133, %lt3A_134 : i32
      %convert_element_type3A_136 = arith.extui %lt3A_135 : i1 to i32
      %cond3A_137 = arith.constant 0 : i32
      %cond3A_138 = arith.cmpi ne, %convert_element_type3A_136, %cond3A_137 : i32
      scf.if %cond3A_138 {
        %mul3A_172 = arith.constant 32 : i32
        %mul3A_173 = arith.muli %sub3A_133, %mul3A_172 : i32
        %dma_start3A_174 = arith.constant 2 : i32
        %dma_start3A_175 = arith.constant 0 : i32
        %dma_start3A_176 = arith.constant 0 : i32
        %dma_start3A_177 = tpu.memref_slice %arg9[%dma_start3A_174, %dma_start3A_175, %dma_start3A_176] : memref<5x32x128xf32, #tpu.memory_space<vmem>> -> memref<1x32x128xf32, #tpu.memory_space<vmem>>
        %dma_start3A_178 = tpu.memref_squeeze %dma_start3A_177 : memref<1x32x128xf32, #tpu.memory_space<vmem>> -> memref<32x128xf32, #tpu.memory_space<vmem>>
        %dma_start3A_179 = tpu.memref_slice %arg7[%mul3A_173] : memref<10240xi32, #tpu.memory_space<vmem>> -> memref<32xi32, #tpu.memory_space<vmem>>
        %dma_start3A_180 = arith.constant 0 : i32
        %dma_start3A_181 = arith.constant 0 : i32
        %dma_start3A_182 = tpu.memref_slice %arg4[%dma_start3A_180, %dma_start3A_181] : memref<10112x128xf32, #tpu.memory_space<hbm>> -> memref<10112x128xf32, #tpu.memory_space<hbm>>
        tpu.enqueue_indirect_dma source(%dma_start3A_182 : memref<10112x128xf32, #tpu.memory_space<hbm>>) target(%dma_start3A_178 : memref<32x128xf32, #tpu.memory_space<vmem>>) offsets(%dma_start3A_179 : memref<32xi32, #tpu.memory_space<vmem>>) semaphore(%arg13 : memref<!tpu.dma_semaphore, #tpu.memory_space<semaphore_mem>>)
      } else {
      }
      %dma_wait3A_139 = arith.constant 3 : i32
      %dma_wait3A_140 = arith.constant 0 : i32
      %dma_wait3A_141 = arith.constant 0 : i32
      %dma_wait3A_142 = tpu.memref_slice %arg9[%dma_wait3A_139, %dma_wait3A_140, %dma_wait3A_141] : memref<5x32x128xf32, #tpu.memory_space<vmem>> -> memref<1x32x128xf32, #tpu.memory_space<vmem>>
      %dma_wait3A_143 = tpu.memref_squeeze %dma_wait3A_142 : memref<1x32x128xf32, #tpu.memory_space<vmem>> -> memref<32x128xf32, #tpu.memory_space<vmem>>
      %dma_wait3A_144 = arith.constant 0 : i32
      %dma_wait3A_145 = tpu.memref_slice %arg7[%dma_wait3A_144] : memref<10240xi32, #tpu.memory_space<vmem>> -> memref<32xi32, #tpu.memory_space<vmem>>
      %dma_wait3A_146 = arith.constant 0 : i32
      %dma_wait3A_147 = arith.constant 0 : i32
      %dma_wait3A_148 = tpu.memref_slice %arg4[%dma_wait3A_146, %dma_wait3A_147] : memref<10112x128xf32, #tpu.memory_space<hbm>> -> memref<10112x128xf32, #tpu.memory_space<hbm>>
      tpu.wait_indirect_dma semaphore(%arg14 : memref<!tpu.dma_semaphore, #tpu.memory_space<semaphore_mem>>) src(%dma_wait3A_148 : memref<10112x128xf32, #tpu.memory_space<hbm>>) dst(%dma_wait3A_143 : memref<32x128xf32, #tpu.memory_space<vmem>>)
      %run_scoped3A_149 = arith.constant 3 : i32
      "tpu.region"() ({
        %run_scoped3A_172 = tpu.sem_alloc : memref<!tpu.dma_semaphore, #tpu.memory_space<semaphore_mem>>
        %dma_start3A_173 = arith.constant 0 : i32
        %dma_start3A_174 = arith.constant 0 : i32
        %dma_start3A_175 = tpu.memref_slice %arg9[%run_scoped3A_149, %dma_start3A_173, %dma_start3A_174] : memref<5x32x128xf32, #tpu.memory_space<vmem>> -> memref<1x32x128xf32, #tpu.memory_space<vmem>>
        %dma_start3A_176 = tpu.memref_squeeze %dma_start3A_175 : memref<1x32x128xf32, #tpu.memory_space<vmem>> -> memref<32x128xf32, #tpu.memory_space<vmem>>
        %dma_start3A_177 = arith.constant 0 : i32
        %dma_start3A_178 = tpu.memref_slice %arg8[%add3A_129, %dma_start3A_177] : memref<320x32xi32, #tpu.memory_space<vmem>> -> memref<1x32xi32, #tpu.memory_space<vmem>>
        %dma_start3A_179 = tpu.memref_squeeze %dma_start3A_178 : memref<1x32xi32, #tpu.memory_space<vmem>> -> memref<32xi32, #tpu.memory_space<vmem>>
        %dma_start3A_180 = arith.constant 0 : i32
        %dma_start3A_181 = arith.constant 0 : i32
        %dma_start3A_182 = tpu.memref_slice %arg10[%dma_start3A_180, %dma_start3A_181] : memref<10112x128xf32, #tpu.memory_space<vmem_shared>> -> memref<10112x128xf32, #tpu.memory_space<vmem_shared>>
        tpu.enqueue_indirect_dma source(%dma_start3A_176 : memref<32x128xf32, #tpu.memory_space<vmem>>) target(%dma_start3A_182 : memref<10112x128xf32, #tpu.memory_space<vmem_shared>>) offsets(%dma_start3A_179 : memref<32xi32, #tpu.memory_space<vmem>>) semaphore(%run_scoped3A_172 : memref<!tpu.dma_semaphore, #tpu.memory_space<semaphore_mem>>) {add = true}
        %dma_wait3A_183 = arith.constant 0 : i32
        %dma_wait3A_184 = arith.constant 0 : i32
        %dma_wait3A_185 = tpu.memref_slice %arg9[%run_scoped3A_149, %dma_wait3A_183, %dma_wait3A_184] : memref<5x32x128xf32, #tpu.memory_space<vmem>> -> memref<1x32x128xf32, #tpu.memory_space<vmem>>
        %dma_wait3A_186 = tpu.memref_squeeze %dma_wait3A_185 : memref<1x32x128xf32, #tpu.memory_space<vmem>> -> memref<32x128xf32, #tpu.memory_space<vmem>>
        %dma_wait3A_187 = arith.constant 0 : i32
        %dma_wait3A_188 = tpu.memref_slice %arg8[%add3A_129, %dma_wait3A_187] : memref<320x32xi32, #tpu.memory_space<vmem>> -> memref<1x32xi32, #tpu.memory_space<vmem>>
        %dma_wait3A_189 = tpu.memref_squeeze %dma_wait3A_188 : memref<1x32xi32, #tpu.memory_space<vmem>> -> memref<32xi32, #tpu.memory_space<vmem>>
        %dma_wait3A_190 = arith.constant 0 : i32
        %dma_wait3A_191 = arith.constant 0 : i32
        %dma_wait3A_192 = tpu.memref_slice %arg10[%dma_wait3A_190, %dma_wait3A_191] : memref<10112x128xf32, #tpu.memory_space<vmem_shared>> -> memref<10112x128xf32, #tpu.memory_space<vmem_shared>>
        tpu.wait_indirect_dma semaphore(%run_scoped3A_172 : memref<!tpu.dma_semaphore, #tpu.memory_space<semaphore_mem>>) src(%dma_wait3A_186 : memref<32x128xf32, #tpu.memory_space<vmem>>) dst(%dma_wait3A_192 : memref<10112x128xf32, #tpu.memory_space<vmem_shared>>)
        tpu.yield
      }) : () -> ()
      %add3A_150 = arith.constant 4 : i32
      %add3A_151 = arith.addi %mul3A_65, %add3A_150 : i32
      %add3A_152 = arith.constant 5 : i32
      %add3A_153 = arith.addi %add3A_151, %add3A_152 : i32
      %sub3A_154 = arith.constant 1 : i32
      %sub3A_155 = arith.subi %add3A_153, %sub3A_154 : i32
      %lt3A_156 = arith.constant 320 : i32
      %lt3A_157 = arith.cmpi slt, %sub3A_155, %lt3A_156 : i32
      %convert_element_type3A_158 = arith.extui %lt3A_157 : i1 to i32
      %cond3A_159 = arith.constant 0 : i32
      %cond3A_160 = arith.cmpi ne, %convert_element_type3A_158, %cond3A_159 : i32
      scf.if %cond3A_160 {
        %mul3A_172 = arith.constant 32 : i32
        %mul3A_173 = arith.muli %sub3A_155, %mul3A_172 : i32
        %dma_start3A_174 = arith.constant 3 : i32
        %dma_start3A_175 = arith.constant 0 : i32
        %dma_start3A_176 = arith.constant 0 : i32
        %dma_start3A_177 = tpu.memref_slice %arg9[%dma_start3A_174, %dma_start3A_175, %dma_start3A_176] : memref<5x32x128xf32, #tpu.memory_space<vmem>> -> memref<1x32x128xf32, #tpu.memory_space<vmem>>
        %dma_start3A_178 = tpu.memref_squeeze %dma_start3A_177 : memref<1x32x128xf32, #tpu.memory_space<vmem>> -> memref<32x128xf32, #tpu.memory_space<vmem>>
        %dma_start3A_179 = tpu.memref_slice %arg7[%mul3A_173] : memref<10240xi32, #tpu.memory_space<vmem>> -> memref<32xi32, #tpu.memory_space<vmem>>
        %dma_start3A_180 = arith.constant 0 : i32
        %dma_start3A_181 = arith.constant 0 : i32
        %dma_start3A_182 = tpu.memref_slice %arg4[%dma_start3A_180, %dma_start3A_181] : memref<10112x128xf32, #tpu.memory_space<hbm>> -> memref<10112x128xf32, #tpu.memory_space<hbm>>
        tpu.enqueue_indirect_dma source(%dma_start3A_182 : memref<10112x128xf32, #tpu.memory_space<hbm>>) target(%dma_start3A_178 : memref<32x128xf32, #tpu.memory_space<vmem>>) offsets(%dma_start3A_179 : memref<32xi32, #tpu.memory_space<vmem>>) semaphore(%arg14 : memref<!tpu.dma_semaphore, #tpu.memory_space<semaphore_mem>>)
      } else {
      }
      %dma_wait3A_161 = arith.constant 4 : i32
      %dma_wait3A_162 = arith.constant 0 : i32
      %dma_wait3A_163 = arith.constant 0 : i32
      %dma_wait3A_164 = tpu.memref_slice %arg9[%dma_wait3A_161, %dma_wait3A_162, %dma_wait3A_163] : memref<5x32x128xf32, #tpu.memory_space<vmem>> -> memref<1x32x128xf32, #tpu.memory_space<vmem>>
      %dma_wait3A_165 = tpu.memref_squeeze %dma_wait3A_164 : memref<1x32x128xf32, #tpu.memory_space<vmem>> -> memref<32x128xf32, #tpu.memory_space<vmem>>
      %dma_wait3A_166 = arith.constant 0 : i32
      %dma_wait3A_167 = tpu.memref_slice %arg7[%dma_wait3A_166] : memref<10240xi32, #tpu.memory_space<vmem>> -> memref<32xi32, #tpu.memory_space<vmem>>
      %dma_wait3A_168 = arith.constant 0 : i32
      %dma_wait3A_169 = arith.constant 0 : i32
      %dma_wait3A_170 = tpu.memref_slice %arg4[%dma_wait3A_168, %dma_wait3A_169] : memref<10112x128xf32, #tpu.memory_space<hbm>> -> memref<10112x128xf32, #tpu.memory_space<hbm>>
      tpu.wait_indirect_dma semaphore(%arg15 : memref<!tpu.dma_semaphore, #tpu.memory_space<semaphore_mem>>) src(%dma_wait3A_170 : memref<10112x128xf32, #tpu.memory_space<hbm>>) dst(%dma_wait3A_165 : memref<32x128xf32, #tpu.memory_space<vmem>>)
      %run_scoped3A_171 = arith.constant 4 : i32
      "tpu.region"() ({
        %run_scoped3A_172 = tpu.sem_alloc : memref<!tpu.dma_semaphore, #tpu.memory_space<semaphore_mem>>
        %dma_start3A_173 = arith.constant 0 : i32
        %dma_start3A_174 = arith.constant 0 : i32
        %dma_start3A_175 = tpu.memref_slice %arg9[%run_scoped3A_171, %dma_start3A_173, %dma_start3A_174] : memref<5x32x128xf32, #tpu.memory_space<vmem>> -> memref<1x32x128xf32, #tpu.memory_space<vmem>>
        %dma_start3A_176 = tpu.memref_squeeze %dma_start3A_175 : memref<1x32x128xf32, #tpu.memory_space<vmem>> -> memref<32x128xf32, #tpu.memory_space<vmem>>
        %dma_start3A_177 = arith.constant 0 : i32
        %dma_start3A_178 = tpu.memref_slice %arg8[%add3A_151, %dma_start3A_177] : memref<320x32xi32, #tpu.memory_space<vmem>> -> memref<1x32xi32, #tpu.memory_space<vmem>>
        %dma_start3A_179 = tpu.memref_squeeze %dma_start3A_178 : memref<1x32xi32, #tpu.memory_space<vmem>> -> memref<32xi32, #tpu.memory_space<vmem>>
        %dma_start3A_180 = arith.constant 0 : i32
        %dma_start3A_181 = arith.constant 0 : i32
        %dma_start3A_182 = tpu.memref_slice %arg10[%dma_start3A_180, %dma_start3A_181] : memref<10112x128xf32, #tpu.memory_space<vmem_shared>> -> memref<10112x128xf32, #tpu.memory_space<vmem_shared>>
        tpu.enqueue_indirect_dma source(%dma_start3A_176 : memref<32x128xf32, #tpu.memory_space<vmem>>) target(%dma_start3A_182 : memref<10112x128xf32, #tpu.memory_space<vmem_shared>>) offsets(%dma_start3A_179 : memref<32xi32, #tpu.memory_space<vmem>>) semaphore(%run_scoped3A_172 : memref<!tpu.dma_semaphore, #tpu.memory_space<semaphore_mem>>) {add = true}
        %dma_wait3A_183 = arith.constant 0 : i32
        %dma_wait3A_184 = arith.constant 0 : i32
        %dma_wait3A_185 = tpu.memref_slice %arg9[%run_scoped3A_171, %dma_wait3A_183, %dma_wait3A_184] : memref<5x32x128xf32, #tpu.memory_space<vmem>> -> memref<1x32x128xf32, #tpu.memory_space<vmem>>
        %dma_wait3A_186 = tpu.memref_squeeze %dma_wait3A_185 : memref<1x32x128xf32, #tpu.memory_space<vmem>> -> memref<32x128xf32, #tpu.memory_space<vmem>>
        %dma_wait3A_187 = arith.constant 0 : i32
        %dma_wait3A_188 = tpu.memref_slice %arg8[%add3A_151, %dma_wait3A_187] : memref<320x32xi32, #tpu.memory_space<vmem>> -> memref<1x32xi32, #tpu.memory_space<vmem>>
        %dma_wait3A_189 = tpu.memref_squeeze %dma_wait3A_188 : memref<1x32xi32, #tpu.memory_space<vmem>> -> memref<32xi32, #tpu.memory_space<vmem>>
        %dma_wait3A_190 = arith.constant 0 : i32
        %dma_wait3A_191 = arith.constant 0 : i32
        %dma_wait3A_192 = tpu.memref_slice %arg10[%dma_wait3A_190, %dma_wait3A_191] : memref<10112x128xf32, #tpu.memory_space<vmem_shared>> -> memref<10112x128xf32, #tpu.memory_space<vmem_shared>>
        tpu.wait_indirect_dma semaphore(%run_scoped3A_172 : memref<!tpu.dma_semaphore, #tpu.memory_space<semaphore_mem>>) src(%dma_wait3A_186 : memref<32x128xf32, #tpu.memory_space<vmem>>) dst(%dma_wait3A_192 : memref<10112x128xf32, #tpu.memory_space<vmem_shared>>)
        tpu.yield
      }) : () -> ()
    }
    %scan3A_57 = arith.constant 64 : i32
    %barrier3A_58 = arith.constant 0 : index
    tpu.barrier barrier_id(%barrier3A_58)
    %mul3A_59 = arith.constant 632 : i32
    %mul3A_60 = arith.muli %arg1, %mul3A_59 : i32
    %mul3A_61 = arith.constant 632 : i32
    %mul3A_62 = arith.muli %arg1, %mul3A_61 : i32
    "tpu.region"() ({
      %run_scoped3A = tpu.sem_alloc : memref<!tpu.dma_semaphore, #tpu.memory_space<semaphore_mem>>
      %dma_start3A_63 = arith.constant 0 : i32
      %dma_start3A_64 = tpu.memref_slice %arg6[%arg0, %mul3A_62, %dma_start3A_63] : memref<2x10112x128xf32, #tpu.memory_space<hbm>> -> memref<1x632x128xf32, #tpu.memory_space<hbm>>
      %dma_start3A_65 = tpu.memref_squeeze %dma_start3A_64 : memref<1x632x128xf32, #tpu.memory_space<hbm>> -> memref<632x128xf32, #tpu.memory_space<hbm>>
      %dma_start3A_66 = arith.constant 0 : i32
      %dma_start3A_67 = tpu.memref_slice %arg10[%mul3A_60, %dma_start3A_66] : memref<10112x128xf32, #tpu.memory_space<vmem_shared>> -> memref<632x128xf32, #tpu.memory_space<vmem_shared>>
      tpu.enqueue_dma source(%dma_start3A_67 : memref<632x128xf32, #tpu.memory_space<vmem_shared>>) target(%dma_start3A_65 : memref<632x128xf32, #tpu.memory_space<hbm>>) target_semaphore(%run_scoped3A : memref<!tpu.dma_semaphore, #tpu.memory_space<semaphore_mem>>)
      %dma_wait3A = arith.constant 0 : i32
      %dma_wait3A_68 = tpu.memref_slice %arg6[%arg0, %mul3A_62, %dma_wait3A] : memref<2x10112x128xf32, #tpu.memory_space<hbm>> -> memref<1x632x128xf32, #tpu.memory_space<hbm>>
      %dma_wait3A_69 = tpu.memref_squeeze %dma_wait3A_68 : memref<1x632x128xf32, #tpu.memory_space<hbm>> -> memref<632x128xf32, #tpu.memory_space<hbm>>
      %dma_wait3A_70 = arith.constant 0 : i32
      %dma_wait3A_71 = tpu.memref_slice %arg10[%mul3A_60, %dma_wait3A_70] : memref<10112x128xf32, #tpu.memory_space<vmem_shared>> -> memref<632x128xf32, #tpu.memory_space<vmem_shared>>
      tpu.wait_dma2 semaphore(%run_scoped3A : memref<!tpu.dma_semaphore, #tpu.memory_space<semaphore_mem>>) src(%dma_wait3A_71 : memref<632x128xf32, #tpu.memory_space<vmem_shared>>) dst(%dma_wait3A_69 : memref<632x128xf32, #tpu.memory_space<hbm>>)
      tpu.yield
    }) : () -> ()
    return
  }
}

#map = affine_map<(d0, d1) -> (0)>
#map1 = affine_map<(d0, d1) -> (0, 0)>
module attributes {stable_mosaic.version = 14 : i64} {
  func.func @_sc_degree(%arg0: i32, %arg1: i32, %arg2: memref<320000xi32, #tpu.memory_space<hbm>>, %arg3: memref<32x10112xf32, #tpu.memory_space<hbm>>, %arg4: memref<10000xi32, #tpu.memory_space<vmem>>, %arg5: memref<10112xf32, #tpu.memory_space<vmem>>) attributes {dimension_semantics = [#tpu.dimension_semantics<core_parallel>, #tpu.dimension_semantics<subcore_parallel>], iteration_bounds = array<i64: 2, 16>, scalar_prefetch = 0 : i64, scratch_operands = 2 : i64, tpu.core_type = #tpu.core_type<sc_vector_subcore>, window_params = [{transform_indices = #map}, {transform_indices = #map1}]} {
    %mul3A = arith.constant 2 : i32
    %mul3A_0 = arith.muli %arg1, %mul3A : i32
    %add3A = arith.addi %mul3A_0, %arg0 : i32
    %mul3A_1 = arith.constant 10000 : i32
    %mul3A_2 = arith.muli %add3A, %mul3A_1 : i32
    "tpu.region"() ({
      %run_scoped3A = tpu.sem_alloc : memref<!tpu.dma_semaphore, #tpu.memory_space<semaphore_mem>>
      %dma_start3A = tpu.memref_slice %arg2[%mul3A_2] : memref<320000xi32, #tpu.memory_space<hbm>> -> memref<10000xi32, #tpu.memory_space<hbm>>
      %dma_start3A_17 = tpu.memref_slice %arg2[%mul3A_2] : memref<320000xi32, #tpu.memory_space<hbm>> -> memref<10000xi32, #tpu.memory_space<hbm>>
      tpu.enqueue_dma source(%dma_start3A_17 : memref<10000xi32, #tpu.memory_space<hbm>>) target(%arg4 : memref<10000xi32, #tpu.memory_space<vmem>>) target_semaphore(%run_scoped3A : memref<!tpu.dma_semaphore, #tpu.memory_space<semaphore_mem>>)
      %dma_wait3A = tpu.memref_slice %arg2[%mul3A_2] : memref<320000xi32, #tpu.memory_space<hbm>> -> memref<10000xi32, #tpu.memory_space<hbm>>
      %dma_wait3A_18 = tpu.memref_slice %arg2[%mul3A_2] : memref<320000xi32, #tpu.memory_space<hbm>> -> memref<10000xi32, #tpu.memory_space<hbm>>
      tpu.wait_dma2 semaphore(%run_scoped3A : memref<!tpu.dma_semaphore, #tpu.memory_space<semaphore_mem>>) src(%dma_wait3A_18 : memref<10000xi32, #tpu.memory_space<hbm>>) dst(%arg4 : memref<10000xi32, #tpu.memory_space<vmem>>)
      tpu.yield
    }) : () -> ()
    %broadcast_in_dim3A = arith.constant 0.000000e+00 : f32
    %broadcast_in_dim3A_3 = vector.broadcast %broadcast_in_dim3A : f32 to vector<16xf32>
    %scan3A = arith.constant 0 : i32
    %scan3A_4 = arith.constant 0 : i32
    %scan3A_5 = arith.constant 632 : i32
    %scan3A_6 = arith.addi %scan3A_4, %scan3A_5 : i32
    %scan3A_7 = arith.constant 8 : i32
    scf.for %scan3A_17 = %scan3A_4 to %scan3A_6 step %scan3A_7  : i32 {
      %mul3A_18 = arith.constant 16 : i32
      %mul3A_19 = arith.muli %scan3A_17, %mul3A_18 : i32
      %swap3A = arith.index_cast %mul3A_19 : i32 to index
      %swap3A_20 = tpu.vector_load %arg5[%swap3A] {strides = array<i32>} : memref<10112xf32, #tpu.memory_space<vmem>>, vector<16xf32>,
      tpu.vector_store %arg5[%swap3A], %broadcast_in_dim3A_3 {strides = array<i32>} : memref<10112xf32, #tpu.memory_space<vmem>>, vector<16xf32>,
      %scan3A_21 = arith.constant 1 : i32
      %scan3A_22 = arith.addi %scan3A_17, %scan3A_21 : i32
      %mul3A_23 = arith.constant 16 : i32
      %mul3A_24 = arith.muli %scan3A_22, %mul3A_23 : i32
      %swap3A_25 = arith.index_cast %mul3A_24 : i32 to index
      %swap3A_26 = tpu.vector_load %arg5[%swap3A_25] {strides = array<i32>} : memref<10112xf32, #tpu.memory_space<vmem>>, vector<16xf32>,
      tpu.vector_store %arg5[%swap3A_25], %broadcast_in_dim3A_3 {strides = array<i32>} : memref<10112xf32, #tpu.memory_space<vmem>>, vector<16xf32>,
      %scan3A_27 = arith.constant 2 : i32
      %scan3A_28 = arith.addi %scan3A_17, %scan3A_27 : i32
      %mul3A_29 = arith.constant 16 : i32
      %mul3A_30 = arith.muli %scan3A_28, %mul3A_29 : i32
      %swap3A_31 = arith.index_cast %mul3A_30 : i32 to index
      %swap3A_32 = tpu.vector_load %arg5[%swap3A_31] {strides = array<i32>} : memref<10112xf32, #tpu.memory_space<vmem>>, vector<16xf32>,
      tpu.vector_store %arg5[%swap3A_31], %broadcast_in_dim3A_3 {strides = array<i32>} : memref<10112xf32, #tpu.memory_space<vmem>>, vector<16xf32>,
      %scan3A_33 = arith.constant 3 : i32
      %scan3A_34 = arith.addi %scan3A_17, %scan3A_33 : i32
      %mul3A_35 = arith.constant 16 : i32
      %mul3A_36 = arith.muli %scan3A_34, %mul3A_35 : i32
      %swap3A_37 = arith.index_cast %mul3A_36 : i32 to index
      %swap3A_38 = tpu.vector_load %arg5[%swap3A_37] {strides = array<i32>} : memref<10112xf32, #tpu.memory_space<vmem>>, vector<16xf32>,
      tpu.vector_store %arg5[%swap3A_37], %broadcast_in_dim3A_3 {strides = array<i32>} : memref<10112xf32, #tpu.memory_space<vmem>>, vector<16xf32>,
      %scan3A_39 = arith.constant 4 : i32
      %scan3A_40 = arith.addi %scan3A_17, %scan3A_39 : i32
      %mul3A_41 = arith.constant 16 : i32
      %mul3A_42 = arith.muli %scan3A_40, %mul3A_41 : i32
      %swap3A_43 = arith.index_cast %mul3A_42 : i32 to index
      %swap3A_44 = tpu.vector_load %arg5[%swap3A_43] {strides = array<i32>} : memref<10112xf32, #tpu.memory_space<vmem>>, vector<16xf32>,
      tpu.vector_store %arg5[%swap3A_43], %broadcast_in_dim3A_3 {strides = array<i32>} : memref<10112xf32, #tpu.memory_space<vmem>>, vector<16xf32>,
      %scan3A_45 = arith.constant 5 : i32
      %scan3A_46 = arith.addi %scan3A_17, %scan3A_45 : i32
      %mul3A_47 = arith.constant 16 : i32
      %mul3A_48 = arith.muli %scan3A_46, %mul3A_47 : i32
      %swap3A_49 = arith.index_cast %mul3A_48 : i32 to index
      %swap3A_50 = tpu.vector_load %arg5[%swap3A_49] {strides = array<i32>} : memref<10112xf32, #tpu.memory_space<vmem>>, vector<16xf32>,
      tpu.vector_store %arg5[%swap3A_49], %broadcast_in_dim3A_3 {strides = array<i32>} : memref<10112xf32, #tpu.memory_space<vmem>>, vector<16xf32>,
      %scan3A_51 = arith.constant 6 : i32
      %scan3A_52 = arith.addi %scan3A_17, %scan3A_51 : i32
      %mul3A_53 = arith.constant 16 : i32
      %mul3A_54 = arith.muli %scan3A_52, %mul3A_53 : i32
      %swap3A_55 = arith.index_cast %mul3A_54 : i32 to index
      %swap3A_56 = tpu.vector_load %arg5[%swap3A_55] {strides = array<i32>} : memref<10112xf32, #tpu.memory_space<vmem>>, vector<16xf32>,
      tpu.vector_store %arg5[%swap3A_55], %broadcast_in_dim3A_3 {strides = array<i32>} : memref<10112xf32, #tpu.memory_space<vmem>>, vector<16xf32>,
      %scan3A_57 = arith.constant 7 : i32
      %scan3A_58 = arith.addi %scan3A_17, %scan3A_57 : i32
      %mul3A_59 = arith.constant 16 : i32
      %mul3A_60 = arith.muli %scan3A_58, %mul3A_59 : i32
      %swap3A_61 = arith.index_cast %mul3A_60 : i32 to index
      %swap3A_62 = tpu.vector_load %arg5[%swap3A_61] {strides = array<i32>} : memref<10112xf32, #tpu.memory_space<vmem>>, vector<16xf32>,
      tpu.vector_store %arg5[%swap3A_61], %broadcast_in_dim3A_3 {strides = array<i32>} : memref<10112xf32, #tpu.memory_space<vmem>>, vector<16xf32>,
    }
    %scan3A_8 = arith.constant 632 : i32
    %broadcast_in_dim3A_9 = arith.constant 1.000000e+00 : f32
    %broadcast_in_dim3A_10 = vector.broadcast %broadcast_in_dim3A_9 : f32 to vector<16xf32>
    %scan3A_11 = arith.constant 0 : i32
    %scan3A_12 = arith.constant 0 : i32
    %scan3A_13 = arith.constant 625 : i32
    %scan3A_14 = arith.addi %scan3A_12, %scan3A_13 : i32
    %scan3A_15 = arith.constant 5 : i32
    scf.for %scan3A_17 = %scan3A_12 to %scan3A_14 step %scan3A_15  : i32 {
      %mul3A_18 = arith.constant 16 : i32
      %mul3A_19 = arith.muli %scan3A_17, %mul3A_18 : i32
      %get3A = arith.index_cast %mul3A_19 : i32 to index
      %get3A_20 = tpu.vector_load %arg4[%get3A] {strides = array<i32>} : memref<10000xi32, #tpu.memory_space<vmem>>, vector<16xi32>,
      tpu.vector_store_idx %arg5[%get3A_20], %broadcast_in_dim3A_10 {add = true} : memref<10112xf32, #tpu.memory_space<vmem>>[vector<16xi32>], vector<16xf32>,
      %scan3A_21 = arith.constant 1 : i32
      %scan3A_22 = arith.addi %scan3A_17, %scan3A_21 : i32
      %mul3A_23 = arith.constant 16 : i32
      %mul3A_24 = arith.muli %scan3A_22, %mul3A_23 : i32
      %get3A_25 = arith.index_cast %mul3A_24 : i32 to index
      %get3A_26 = tpu.vector_load %arg4[%get3A_25] {strides = array<i32>} : memref<10000xi32, #tpu.memory_space<vmem>>, vector<16xi32>,
      tpu.vector_store_idx %arg5[%get3A_26], %broadcast_in_dim3A_10 {add = true} : memref<10112xf32, #tpu.memory_space<vmem>>[vector<16xi32>], vector<16xf32>,
      %scan3A_27 = arith.constant 2 : i32
      %scan3A_28 = arith.addi %scan3A_17, %scan3A_27 : i32
      %mul3A_29 = arith.constant 16 : i32
      %mul3A_30 = arith.muli %scan3A_28, %mul3A_29 : i32
      %get3A_31 = arith.index_cast %mul3A_30 : i32 to index
      %get3A_32 = tpu.vector_load %arg4[%get3A_31] {strides = array<i32>} : memref<10000xi32, #tpu.memory_space<vmem>>, vector<16xi32>,
      tpu.vector_store_idx %arg5[%get3A_32], %broadcast_in_dim3A_10 {add = true} : memref<10112xf32, #tpu.memory_space<vmem>>[vector<16xi32>], vector<16xf32>,
      %scan3A_33 = arith.constant 3 : i32
      %scan3A_34 = arith.addi %scan3A_17, %scan3A_33 : i32
      %mul3A_35 = arith.constant 16 : i32
      %mul3A_36 = arith.muli %scan3A_34, %mul3A_35 : i32
      %get3A_37 = arith.index_cast %mul3A_36 : i32 to index
      %get3A_38 = tpu.vector_load %arg4[%get3A_37] {strides = array<i32>} : memref<10000xi32, #tpu.memory_space<vmem>>, vector<16xi32>,
      tpu.vector_store_idx %arg5[%get3A_38], %broadcast_in_dim3A_10 {add = true} : memref<10112xf32, #tpu.memory_space<vmem>>[vector<16xi32>], vector<16xf32>,
      %scan3A_39 = arith.constant 4 : i32
      %scan3A_40 = arith.addi %scan3A_17, %scan3A_39 : i32
      %mul3A_41 = arith.constant 16 : i32
      %mul3A_42 = arith.muli %scan3A_40, %mul3A_41 : i32
      %get3A_43 = arith.index_cast %mul3A_42 : i32 to index
      %get3A_44 = tpu.vector_load %arg4[%get3A_43] {strides = array<i32>} : memref<10000xi32, #tpu.memory_space<vmem>>, vector<16xi32>,
      tpu.vector_store_idx %arg5[%get3A_44], %broadcast_in_dim3A_10 {add = true} : memref<10112xf32, #tpu.memory_space<vmem>>[vector<16xi32>], vector<16xf32>,
    }
    %scan3A_16 = arith.constant 625 : i32
    "tpu.region"() ({
      %run_scoped3A = tpu.sem_alloc : memref<!tpu.dma_semaphore, #tpu.memory_space<semaphore_mem>>
      %dma_start3A = arith.constant 0 : i32
      %dma_start3A_17 = tpu.memref_slice %arg3[%add3A, %dma_start3A] : memref<32x10112xf32, #tpu.memory_space<hbm>> -> memref<1x10112xf32, #tpu.memory_space<hbm>>
      %dma_start3A_18 = tpu.memref_squeeze %dma_start3A_17 : memref<1x10112xf32, #tpu.memory_space<hbm>> -> memref<10112xf32, #tpu.memory_space<hbm>>
      %dma_start3A_19 = arith.constant 0 : i32
      %dma_start3A_20 = tpu.memref_slice %arg3[%add3A, %dma_start3A_19] : memref<32x10112xf32, #tpu.memory_space<hbm>> -> memref<1x10112xf32, #tpu.memory_space<hbm>>
      %dma_start3A_21 = tpu.memref_squeeze %dma_start3A_20 : memref<1x10112xf32, #tpu.memory_space<hbm>> -> memref<10112xf32, #tpu.memory_space<hbm>>
      tpu.enqueue_dma source(%arg5 : memref<10112xf32, #tpu.memory_space<vmem>>) target(%dma_start3A_21 : memref<10112xf32, #tpu.memory_space<hbm>>) target_semaphore(%run_scoped3A : memref<!tpu.dma_semaphore, #tpu.memory_space<semaphore_mem>>)
      %dma_wait3A = arith.constant 0 : i32
      %dma_wait3A_22 = tpu.memref_slice %arg3[%add3A, %dma_wait3A] : memref<32x10112xf32, #tpu.memory_space<hbm>> -> memref<1x10112xf32, #tpu.memory_space<hbm>>
      %dma_wait3A_23 = tpu.memref_squeeze %dma_wait3A_22 : memref<1x10112xf32, #tpu.memory_space<hbm>> -> memref<10112xf32, #tpu.memory_space<hbm>>
      %dma_wait3A_24 = arith.constant 0 : i32
      %dma_wait3A_25 = tpu.memref_slice %arg3[%add3A, %dma_wait3A_24] : memref<32x10112xf32, #tpu.memory_space<hbm>> -> memref<1x10112xf32, #tpu.memory_space<hbm>>
      %dma_wait3A_26 = tpu.memref_squeeze %dma_wait3A_25 : memref<1x10112xf32, #tpu.memory_space<hbm>> -> memref<10112xf32, #tpu.memory_space<hbm>>
      tpu.wait_dma2 semaphore(%run_scoped3A : memref<!tpu.dma_semaphore, #tpu.memory_space<semaphore_mem>>) src(%arg5 : memref<10112xf32, #tpu.memory_space<vmem>>) dst(%dma_wait3A_26 : memref<10112xf32, #tpu.memory_space<hbm>>)
      tpu.yield
    }) : () -> ()
    return
  }
}

module attributes {stable_mosaic.version = 14 : i64} {
  func.func @_tc_hn_body(%arg0: memref<32x10112xf32, #tpu.memory_space<vmem>>, %arg1: memref<10000x128xf32, #tpu.memory_space<vmem>>, %arg2: memref<128x128xf32, #tpu.memory_space<vmem>>, %arg3: memref<10112x128xf32, #tpu.memory_space<vmem>>, %arg4: memref<10112x1xf32, #tpu.memory_space<vmem>>) attributes {dimension_semantics = [], scalar_prefetch = 0 : i64, scratch_operands = 0 : i64, tpu.core_type = #tpu.core_type<tc>} {
    %broadcast_in_dim3A = arith.constant 1.000000e+00 : f32
    %broadcast_in_dim3A_0 = vector.broadcast %broadcast_in_dim3A : f32 to vector<32x1xf32>
    %get3A = arith.constant 0 : index
    %get3A_1 = arith.constant 0 : index
    %get3A_2 = vector.load %arg0[%get3A, %get3A_1] : memref<32x10112xf32, #tpu.memory_space<vmem>>, vector<32x10112xf32>
    %dot_general3A = arith.constant dense<0.000000e+00> : vector<10112x1xf32>
    %dot_general3A_3 = tpu.matmul %get3A_2, %broadcast_in_dim3A_0, %dot_general3A {dimension_numbers = #tpu.dot_dimension_numbers<[0], [0], [1], [1], [0, 1, 1, 1], [], []>, transpose_lhs_hint = false} : vector<32x10112xf32>, vector<32x1xf32>, vector<10112x1xf32> -> vector<10112x1xf32>
    %add3A = arith.constant 1.000000e+00 : f32
    %add3A_4 = vector.broadcast %add3A : f32 to vector<10112x1xf32>
    %add3A_5 = arith.addf %dot_general3A_3, %add3A_4 : vector<10112x1xf32>
    %rsqrt3A = math.rsqrt %add3A_5 : vector<10112x1xf32>
    %get3A_6 = arith.constant 0 : index
    %get3A_7 = arith.constant 0 : index
    %get3A_8 = vector.load %arg1[%get3A_6, %get3A_7] : memref<10000x128xf32, #tpu.memory_space<vmem>>, vector<10000x128xf32>
    %get3A_9 = arith.constant 0 : index
    %get3A_10 = arith.constant 0 : index
    %get3A_11 = vector.load %arg2[%get3A_9, %get3A_10] : memref<128x128xf32, #tpu.memory_space<vmem>>, vector<128x128xf32>
    %dot_general3A_12 = arith.constant dense<0.000000e+00> : vector<10000x128xf32>
    %dot_general3A_13 = tpu.matmul %get3A_8, %get3A_11, %dot_general3A_12 {dimension_numbers = #tpu.dot_dimension_numbers<[1], [0], [0], [1], [0, 0, 1, 1], [], []>, transpose_lhs_hint = false} : vector<10000x128xf32>, vector<128x128xf32>, vector<10000x128xf32> -> vector<10000x128xf32>
    %slice3A = vector.extract_strided_slice %rsqrt3A {offsets = [0, 0], sizes = [10000, 1], strides = [1, 1]} : vector<10112x1xf32> to vector<10000x1xf32>
    %mul3A = vector.broadcast %slice3A : vector<10000x1xf32> to vector<10000x128xf32>
    %mul3A_14 = arith.mulf %dot_general3A_13, %mul3A : vector<10000x128xf32>
    %swap3A = arith.constant 0 : index
    %swap3A_15 = arith.constant 0 : index
    %swap3A_16 = vector.load %arg3[%swap3A, %swap3A_15] : memref<10112x128xf32, #tpu.memory_space<vmem>>, vector<10000x128xf32>
    tpu.vector_store %arg3[%swap3A, %swap3A_15], %mul3A_14 {strides = array<i32>} : memref<10112x128xf32, #tpu.memory_space<vmem>>, vector<10000x128xf32>,
    %broadcast_in_dim3A_17 = arith.constant 0.000000e+00 : f32
    %broadcast_in_dim3A_18 = vector.broadcast %broadcast_in_dim3A_17 : f32 to vector<112x128xf32>
    %swap3A_19 = arith.constant 10000 : index
    %swap3A_20 = arith.constant 0 : index
    %swap3A_21 = vector.load %arg3[%swap3A_19, %swap3A_20] : memref<10112x128xf32, #tpu.memory_space<vmem>>, vector<112x128xf32>
    tpu.vector_store %arg3[%swap3A_19, %swap3A_20], %broadcast_in_dim3A_18 {strides = array<i32>} : memref<10112x128xf32, #tpu.memory_space<vmem>>, vector<112x128xf32>,
    %swap3A_22 = arith.constant 0 : index
    %swap3A_23 = arith.constant 0 : index
    %swap3A_24 = vector.load %arg4[%swap3A_22, %swap3A_23] : memref<10112x1xf32, #tpu.memory_space<vmem>>, vector<10112x1xf32>
    tpu.vector_store %arg4[%swap3A_22, %swap3A_23], %rsqrt3A {strides = array<i32>} : memref<10112x1xf32, #tpu.memory_space<vmem>>, vector<10112x1xf32>,
    return
  }
}

module attributes {stable_mosaic.version = 14 : i64} {
  func.func @_tc_final_body(%arg0: i32, %arg1: memref<2x2000x128xf32, #tpu.memory_space<vmem>>, %arg2: memref<2000x1xf32, #tpu.memory_space<vmem>>, %arg3: memref<128x40xf32, #tpu.memory_space<vmem>>, %arg4: memref<128xf32, #tpu.memory_space<vmem>>, %arg5: memref<40xf32, #tpu.memory_space<vmem>>, %arg6: memref<2000x40xf32, #tpu.memory_space<vmem>>) attributes {dimension_semantics = [#tpu.dimension_semantics<arbitrary>], iteration_bounds = array<i64: 5>, scalar_prefetch = 0 : i64, scratch_operands = 0 : i64, tpu.core_type = #tpu.core_type<tc>, window_params = [{transform_indices = @transform_0, window_bounds = array<i64: 2, 2000, 128>}, {transform_indices = @transform_1, window_bounds = array<i64: 2000, 1>}, {pipeline_mode = #tpu.pipeline_mode<synchronous>, transform_indices = @transform_2, window_bounds = array<i64: 128, 40>}, {pipeline_mode = #tpu.pipeline_mode<synchronous>, transform_indices = @transform_3, window_bounds = array<i64: 128>}, {pipeline_mode = #tpu.pipeline_mode<synchronous>, transform_indices = @transform_4, window_bounds = array<i64: 40>}, {transform_indices = @transform_5, window_bounds = array<i64: 2000, 40>}]} {
    %get3A = arith.constant 0 : index
    %get3A_0 = arith.constant 0 : index
    %get3A_1 = arith.constant 0 : index
    %get3A_2 = vector.load %arg1[%get3A, %get3A_0, %get3A_1] : memref<2x2000x128xf32, #tpu.memory_space<vmem>>, vector<1x2000x128xf32>
    %get3A_3 = vector.shape_cast %get3A_2 : vector<1x2000x128xf32> to vector<2000x128xf32>
    %get3A_4 = arith.constant 1 : index
    %get3A_5 = arith.constant 0 : index
    %get3A_6 = arith.constant 0 : index
    %get3A_7 = vector.load %arg1[%get3A_4, %get3A_5, %get3A_6] : memref<2x2000x128xf32, #tpu.memory_space<vmem>>, vector<1x2000x128xf32>
    %get3A_8 = vector.shape_cast %get3A_7 : vector<1x2000x128xf32> to vector<2000x128xf32>
    %add3A = arith.addf %get3A_3, %get3A_8 : vector<2000x128xf32>
    %get3A_9 = arith.constant 0 : index
    %get3A_10 = arith.constant 0 : index
    %get3A_11 = vector.load %arg2[%get3A_9, %get3A_10] : memref<2000x1xf32, #tpu.memory_space<vmem>>, vector<2000x1xf32>
    %mul3A = vector.broadcast %get3A_11 : vector<2000x1xf32> to vector<2000x128xf32>
    %mul3A_12 = arith.mulf %add3A, %mul3A : vector<2000x128xf32>
    %get3A_13 = arith.constant 0 : index
    %get3A_14 = vector.load %arg4[%get3A_13] : memref<128xf32, #tpu.memory_space<vmem>>, vector<128xf32>
    %broadcast_in_dim3A = vector.shape_cast %get3A_14 : vector<128xf32> to vector<1x128xf32>
    %add3A_15 = vector.broadcast %broadcast_in_dim3A : vector<1x128xf32> to vector<2000x128xf32>
    %add3A_16 = arith.addf %mul3A_12, %add3A_15 : vector<2000x128xf32>
    %max3A = arith.constant 0.000000e+00 : f32
    %max3A_17 = vector.broadcast %max3A : f32 to vector<2000x128xf32>
    %max3A_18 = arith.maximumf %add3A_16, %max3A_17 : vector<2000x128xf32>
    %get3A_19 = arith.constant 0 : index
    %get3A_20 = arith.constant 0 : index
    %get3A_21 = vector.load %arg3[%get3A_19, %get3A_20] : memref<128x40xf32, #tpu.memory_space<vmem>>, vector<128x40xf32>
    %dot_general3A = arith.constant dense<0.000000e+00> : vector<2000x40xf32>
    %dot_general3A_22 = tpu.matmul %max3A_18, %get3A_21, %dot_general3A {dimension_numbers = #tpu.dot_dimension_numbers<[1], [0], [0], [1], [0, 0, 1, 1], [], []>, transpose_lhs_hint = false} : vector<2000x128xf32>, vector<128x40xf32>, vector<2000x40xf32> -> vector<2000x40xf32>
    %get3A_23 = arith.constant 0 : index
    %get3A_24 = vector.load %arg5[%get3A_23] : memref<40xf32, #tpu.memory_space<vmem>>, vector<40xf32>
    %broadcast_in_dim3A_25 = vector.shape_cast %get3A_24 : vector<40xf32> to vector<1x40xf32>
    %add3A_26 = vector.broadcast %broadcast_in_dim3A_25 : vector<1x40xf32> to vector<2000x40xf32>
    %add3A_27 = arith.addf %dot_general3A_22, %add3A_26 : vector<2000x40xf32>
    %reduce_max3A = arith.constant dense<0xFF800000> : vector<2000xf32>
    %reduce_max3A_28 = vector.multi_reduction <maximumf>, %add3A_27, %reduce_max3A [1] : vector<2000x40xf32> to vector<2000xf32>
    %broadcast_in_dim3A_29 = vector.shape_cast %reduce_max3A_28 : vector<2000xf32> to vector<2000x1xf32>
    %sub3A = vector.broadcast %broadcast_in_dim3A_29 : vector<2000x1xf32> to vector<2000x40xf32>
    %sub3A_30 = arith.subf %add3A_27, %sub3A : vector<2000x40xf32>
    %exp3A = math.exp %sub3A_30 : vector<2000x40xf32>
    %reduce_sum3A = arith.constant dense<0.000000e+00> : vector<2000xf32>
    %reduce_sum3A_31 = vector.multi_reduction <add>, %exp3A, %reduce_sum3A [1] : vector<2000x40xf32> to vector<2000xf32>
    %broadcast_in_dim3A_32 = vector.shape_cast %reduce_sum3A_31 : vector<2000xf32> to vector<2000x1xf32>
    %log3A = math.log %broadcast_in_dim3A_32 : vector<2000x1xf32>
    %add3A_33 = arith.addf %log3A, %broadcast_in_dim3A_29 : vector<2000x1xf32>
    %sub3A_34 = vector.broadcast %add3A_33 : vector<2000x1xf32> to vector<2000x40xf32>
    %sub3A_35 = arith.subf %add3A_27, %sub3A_34 : vector<2000x40xf32>
    %swap3A = arith.constant 0 : index
    %swap3A_36 = arith.constant 0 : index
    %swap3A_37 = vector.load %arg6[%swap3A, %swap3A_36] : memref<2000x40xf32, #tpu.memory_space<vmem>>, vector<2000x40xf32>
    tpu.vector_store %arg6[%swap3A, %swap3A_36], %sub3A_35 {strides = array<i32>} : memref<2000x40xf32, #tpu.memory_space<vmem>>, vector<2000x40xf32>,
    return
  }
  func.func @transform_0(%arg0: i32) -> (i32, i32, i32) {
    %c0_i32 = arith.constant 0 : i32
    %c0_i32_0 = arith.constant 0 : i32
    %c0_i32_1 = arith.constant 0 : i32
    return %c0_i32, %arg0, %c0_i32_0 : i32, i32, i32
  }
  func.func @transform_1(%arg0: i32) -> (i32, i32) {
    %c0_i32 = arith.constant 0 : i32
    %c0_i32_0 = arith.constant 0 : i32
    return %arg0, %c0_i32 : i32, i32
  }
  func.func @transform_2(%arg0: i32) -> (i32, i32) {
    %c0_i32 = arith.constant 0 : i32
    %c0_i32_0 = arith.constant 0 : i32
    %c0_i32_1 = arith.constant 0 : i32
    return %c0_i32, %c0_i32_0 : i32, i32
  }
  func.func @transform_3(%arg0: i32) -> i32 {
    %c0_i32 = arith.constant 0 : i32
    %c0_i32_0 = arith.constant 0 : i32
    return %c0_i32 : i32
  }
  func.func @transform_4(%arg0: i32) -> i32 {
    %c0_i32 = arith.constant 0 : i32
    %c0_i32_0 = arith.constant 0 : i32
    return %c0_i32 : i32
  }
  func.func @transform_5(%arg0: i32) -> (i32, i32) {
    %c0_i32 = arith.constant 0 : i32
    %c0_i32_0 = arith.constant 0 : i32
    return %arg0, %c0_i32 : i32, i32
  }
}

</mosaic_0001>

<sc_bundles>
// kernel: kernel.6.cloned.1.call-start
scs
__scs_entry_jumppad:
0x0: {  	(pc) =	sbr.rel $0x88, $3  }
0x1: {  	(tag) =	ssettag $0x0;
	lr =	simm.s32 $0x1  }
0x2: {  	[smem:$0x3F9B] =	sst lr;
	_ =	strace $0xD0000000  }
0x3: {  	_ = 	snop  }
0x4: {  	_ = 	snop  }
0x5: {  	_ = 	snop  }
0x6: {  	_ = 	snop  }
0x7: {  	_ = 	snop  }
__scs_overlays_trampoline_lowered:
0x8: {  	[smem:$0x3FAA] =	sst s0  }
0x9: {  	[smem:$0x3FAB] =	sst s1  }
0xa: {  	[smem:$0x3FAC] =	sst s2  }
0xb: {  	[smem:$0x3FAD] =	sst s3  }
0xc: {  	[smem:$0x3FAE] =	sst s4  }
0xd: {  	[smem:$0x3FAF] =	sst s5  }
0xe: {  	[smem:$0x3FB0] =	sst s6  }
0xf: {  	[smem:$0x3FB1] =	sst s7  }
0x10: {  	[smem:$0x3FB2] =	sst s8  }
0x11: {  	[smem:$0x3FB3] =	sst s9;
	s0 =	simm.s32 @!p0 $0x0  }
0x12: {  	s1 =	sld [smem:$0x3F99];
	s0 =	simm.s32 @p0 $0x1  }
0x13: {  	[smem:$0x3FB4] =	sst s0;
	s0 =	simm.s32 @!p1 $0x0  }
0x14: {  	s2 =	sld [smem:$0x3F98];
	s0 =	simm.s32 @p1 $0x1  }
0x15: {  	[smem:$0x3FB5] =	sst s0;
	s0 =	simm.s32 @!p2 $0x0  }
0x16: {  	s3 =	sld [smem:$0x3FDB];
	s0 =	simm.s32 @p2 $0x1  }
0x17: {  	s4 =	simm.s32 $0x1BF5;
	[smem:$0x3FB7] =	sst s0  }
0x18: {  	s0 =	sld [smem:$0x3F9A];
	_ =	swait.ge [sflag:s4], $0x0  }
0x19: {  	s7 =	sld [smem:$0x3F9B]  }
0x1a: {  	s8 =	sadd.s32 $0xFFFFE003, lr  }
0x1b: {  	s9 =	sadd.s32 $0xFFFFFEF7, lr;
	s5 =	simm.s32 $0xFFFFFFFF;
	p2 =	slt.u32 s8, $0xFFFFF086  }
0x1c: {  	p1 =	slt.u32 s9, $0xF7A;
	s5 =	simm.s32 @!p2 $0x0  }
0x1d: {  	s5 =	simm.s32 @p1 $0x1;
	p0 =	seq.s32 s7, s2  }
0x1e: {  	s7 =	smul.u32 @!p0 $0xF7A, s2;
	p2 =	seq.s32 @!p0 s5, $0x0  }
0x1f: {  	s9 =	smul.u32 $0xF7A, s1;
	s8 =	simm.s32 @!p0 $0x1BF5;
	p2 =	por !p2, p0  }
0x20: {  	[sflag:s8] =	ssyncset.s32 @!p0 $0xFFFFF086;
	s6 =	sadd.s32 @!p0 s3, s7;
	s7 =	simm.s32 @!p0 $0x108  }
0x21: {  	s3 =	sadd.s32 s3, s9;
	s6 =	sadd.s32 @!p0 $0x88, s6;
	s7 =	simm.s32 @p2 $0x1082  }
0x22: {  	[simem:s7], [sflag:s8] =	dma.local @!p0 [hbm:s6], $0xF7A  }
0x23: {  	s9 =	sor.u32 $0xD0000000, s2;
	s6 =	simm.s32 $0x108;
	_ =	swait.ge @!p0 [sflag:s8], $0x0  }
0x24: {  	s3 =	sadd.s32 $0x88, s3;
	s6 =	simm.s32 @!p1 $0x1082;
	[sflag:s4] =	ssyncset.s32 $0xFFFFF086  }
0x25: {  	[simem:s6], [sflag:s4] =	dma.local [hbm:s3], $0xF7A  }
0x26: {  	[smem:$0x3F9B] =	sst s1;
	(tag) =	ssettag s2;
	_ =	strace s9  }
0x27: {  	s1 =	sld [smem:$0x3FAB]  }
0x28: {  	s2 =	sld [smem:$0x3FAC]  }
0x29: {  	s4 =	sld [smem:$0x3FAE]  }
0x2a: {  	p0 =	seq.s32 s5, $0x0;
	s5 =	sld [smem:$0x3FAF]  }
0x2b: {  	s6 =	sld [smem:$0x3FB0]  }
0x2c: {  	s7 =	sld [smem:$0x3FB1]  }
0x2d: {  	s3 =	simm.s32 $0x108;
	s8 =	sld [smem:$0x3FB2]  }
0x2e: {  	s3 =	simm.s32 @!p0 $0x1082;
	s9 =	sld [smem:$0x3FB3]  }
0x2f: {  	lr =	sadd.s32 s0, s3;
	s0 =	sld [smem:$0x3FAA]  }
0x30: {  	s3 =	sld [smem:$0x3FAD]  }
0x31: {  	[smem:$0x3FB6] =	sst s10  }
0x32: {  	s10 =	sld [smem:$0x3FB4];
	_ =	sdelay $0x3  }
0x33: {  	p0 =	seq.s32 s10, $0x1;
	s10 =	sld [smem:$0x3FB6];
	_ =	sdelay $0x3  }
0x34: {  	[smem:$0x3FB6] =	sst s10  }
0x35: {  	s10 =	sld [smem:$0x3FB5];
	_ =	sdelay $0x3  }
0x36: {  	p1 =	seq.s32 s10, $0x1;
	s10 =	sld [smem:$0x3FB6];
	_ =	sdelay $0x3  }
0x37: {  	[smem:$0x3FB6] =	sst s10  }
0x38: {  	s10 =	sld [smem:$0x3FB7]  }
0x39: {  	_ = 	snop;
	(pc) =	sbr.ind lr, $3  }
0x3a: {  	_ = 	snop  }
0x3b: {  	_ = 	snop  }
0x3c: {  	p2 =	seq.s32 s10, $0x1;
	s10 =	sld [smem:$0x3FB6]  }
0x3d: {  	_ =	shalt  }
0x3e: {  	_ =	shalt  }
0x3f: {  	_ =	shalt  }
0x40: {  	_ =	shalt  }
0x41: {  	_ =	shalt  }
0x42: {  	_ =	shalt  }
0x43: {  	_ =	shalt  }
0x44: {  	_ =	shalt  }
0x45: {  	_ =	shalt  }
0x46: {  	_ =	shalt  }
0x47: {  	_ =	shalt  }
0x48: {  	_ =	shalt  }
0x49: {  	_ =	shalt  }
0x4a: {  	_ =	shalt  }
0x4b: {  	_ =	shalt  }
0x4c: {  	_ =	shalt  }
0x4d: {  	_ =	shalt  }
0x4e: {  	_ =	shalt  }
0x4f: {  	_ =	shalt  }
0x50: {  	_ =	shalt  }
0x51: {  	_ =	shalt  }
0x52: {  	_ =	shalt  }
0x53: {  	_ =	shalt  }
0x54: {  	_ =	shalt  }
0x55: {  	_ =	shalt  }
0x56: {  	_ =	shalt  }
0x57: {  	_ =	shalt  }
0x58: {  	_ =	shalt  }
0x59: {  	_ =	shalt  }
0x5a: {  	_ =	shalt  }
0x5b: {  	_ =	shalt  }
0x5c: {  	_ =	shalt  }
0x5d: {  	_ =	shalt  }
0x5e: {  	_ =	shalt  }
0x5f: {  	_ =	shalt  }
0x60: {  	_ =	shalt  }
0x61: {  	_ =	shalt  }
0x62: {  	_ =	shalt  }
0x63: {  	_ =	shalt  }
0x64: {  	_ =	shalt  }
0x65: {  	_ =	shalt  }
0x66: {  	_ =	shalt  }
0x67: {  	_ =	shalt  }
0x68: {  	_ =	shalt  }
0x69: {  	_ =	shalt  }
0x6a: {  	_ =	shalt  }
0x6b: {  	_ =	shalt  }
0x6c: {  	_ =	shalt  }
0x6d: {  	_ =	shalt  }
0x6e: {  	_ =	shalt  }
0x6f: {  	_ =	shalt  }
0x70: {  	_ =	shalt  }
0x71: {  	_ =	shalt  }
0x72: {  	_ =	shalt  }
0x73: {  	_ =	shalt  }
0x74: {  	_ =	shalt  }
0x75: {  	_ =	shalt  }
0x76: {  	_ =	shalt  }
0x77: {  	_ =	shalt  }
0x78: {  	_ =	shalt  }
0x79: {  	_ =	shalt  }
0x7a: {  	_ =	shalt  }
0x7b: {  	_ =	shalt  }
0x7c: {  	_ =	shalt  }
0x7d: {  	_ =	shalt  }
0x7e: {  	_ =	shalt  }
0x7f: {  	_ =	shalt  }
0x80: {  	_ =	shalt  }
0x81: {  	_ =	shalt  }
0x82: {  	_ =	shalt  }
0x83: {  	_ =	shalt  }
0x84: {  	_ =	shalt  }
0x85: {  	_ =	shalt  }
0x86: {  	_ =	shalt  }
0x87: {  	_ =	shalt  }
.Lfunc_end0:
.L_simem_size_0:
called_computation_lowered:
.L_overlay_start_0:
0x88: {  	s2 =	sld [smem:$0x3FD9]  }
0x89: {  	s3 =	sld [smem:$0x3FFE];
	_ =	sdelay $0x1  }
0x8a: {  	s1 =	srdreg.scid  }
0x8b: {  	s0 =	sand.u32 $0x1, s1  }
0x8c: {  	s16 =	sshll.u32 s0, $0xA;
	s2 =	sadd.s32 s3, s2  }
0x8d: {  	s2 =	sadd.s32 s2, s16  }
0x8e: {  	[smem:$0x3FC2] =	sst s2  }
0x8f: {  	_ = 	snop  }
0x90: {  	(tm) =	ssettm $0x1  }
0x91: {  	s17 =	sld [smem:$0x3FFB];
	_ =	sdelay $0x3  }
0x92: {  	_ =	strace s17  }
0x93: {  	s2 =	sld [smem:$0x3FFC];
	_ =	sdelay $0x3  }
0x94: {  	_ =	strace s2  }
0x95: {  	s2 =	sld [smem:$0x3FFD];
	_ =	sdelay $0x3  }
0x96: {  	_ =	strace s2  }
0x97: {  	_ =	strace $0x8FFFFFFF  }
0x98: {  	s18 =	sld [smem:$0x3FDB];
	_ =	sdelay $0x1  }
0x99: {  	s19 =	simm.s32 $_scs_section_size  }
0x9a: {  	s4 =	simm.s32 $_size__tile_overlayer_lowered;
	s5 =	simm.s32 $_tile_overlayer_lowered  }
0x9b: {  	s22 =	simm.s32 $0x1BFF;
	s21 =	sshll.u32 s5, $0x1;
	s2 =	sadd.s32 s19, s18  }
0x9c: {  	s6 =	simm.s32 $0x0;
	s20 =	sshll.u32 s4, $0x1;
	s4 =	sadd.s32 s21, s2  }
0x9d: {  	[timem:s6], [sflag:s22] =	dma.local [hbm:s4], s20  }
0x9e: {  	_ =	swait.ge [sflag:s22], s20  }
0x9f: {  	s3 =	ssub.s32 $0x0, s20;
	[sflag:s22] =	ssyncset.done $0x0  }
0xa0: {  	[sflag:s22] =	ssyncadd.s32 s3;
	_ =	sdelay $0x1  }
0xa1: {  	s23 =	simm.s32 $0x1B8B  }
0xa2: {  	_ =	swait.ge [sflag:s23], $0x1  }
0xa3: {  	[sflag:s23] =	ssyncset.done $0x0  }
0xa4: {  	s25 =	simm.s32 $0x1B8E;
	s24 =	sld [smem:$0x3FFE];
	[sflag:s23] =	ssyncadd.s32 $0xFFFFFFFF  }
0xa5: {  	s26 =	simm.s32 $execute0_lowered;
	[smem:$0x3FD2] =	sst s25  }
0xa6: {  	s4 =	sshll.u32 s26, $0x1;
	_ =	strace $0x80000046;
	[dreg:$0x1] =	wrdreg $0xFFFFFFFF  }
0xa7: {  	s28 =	simm.s32 $_size_execute0_lowered;
	s2 =	sadd.s32 s2, s4;
	[dreg:$0x0] =	wrdreg $0x0  }
0xa8: {  	s4 =	sshll.u32 s28, $0x1;
	[dreg:$0x2] =	wrdreg s2  }
0xa9: {  	[dreg:$0x3] =	wrdreg s4  }
0xaa: {  	[dreg:$0x4] =	wrdreg $0xC0  }
0xab: {  	_ =	task [dreg:s6], $0x5FFFF  }
0xac: {  	[dreg:$0x1] =	wrdreg $0xFFFFFFFF  }
0xad: {  	[dreg:$0x0] =	wrdreg $0x60  }
0xae: {  	[dreg:$0x2] =	wrdreg s24  }
0xaf: {  	[dreg:$0x3] =	wrdreg $0x9  }
0xb0: {  	_ =	task.clear_ibuf [dreg:s6], $0x4FFFF;
	_ =	strace $0x90000046  }
0xb1: {  	s29 =	simm.s32 $0x9;
	_ =	strace $0x80000048  }
0xb2: {  	_ =	swait.ge [sflag:s29], $0x1  }
0xb3: {  	[sflag:s29] =	ssyncadd.s32 $0xFFFFFFFF  }
0xb4: {  	_ =	strace $0x90000048  }
0xb5: {  	_ =	sfence  }
0xb6: {  	s30 =	sld [smem:$0x0];
	_ =	sdelay $0x2  }
0xb7: {  	s31 =	sshll.u32 s1, $0xD;
	s1 =	sshrl.u32 s1, $0x2  }
0xb8: {  	s3 =	sand.u32 $0x4000, s31;
	s1 =	sadd.s32 s1, s30  }
0xb9: {  	s0 =	sor.u32 s3, s0;
	s1 =	sshll.u32 s1, $0x11  }
0xba: {  	s0 =	sor.u32 s1, s0  }
0xbb: {  	s0 =	sadd.s32 $0x8F2B, s0  }
0xbc: {  	[sflag:s0] =	ssyncadd.remote.s32 $0x1  }
0xbd: {  	_ =	sfence.sel $0xFFFF  }
0xbe: {  	[dreg:$0x0] =	wrdreg $0xFFFFFFFF;
	(pc) =	sbr.abs _section_cstart, $3  }
0xbf: {  	[dreg:$0x1] =	wrdreg $0xFFFFFFFF  }
0xc0: {  	_ =	task.clear_ibuf [dreg:s6], $0x2FFFF;
	_ =	strace $0x9FFFFFFF  }
0xc1: {  	(tm) =	ssettm $0x7FFFFFFF  }
tec
execute0_lowered:
.L_overlay_start_1:
0x0: {  	(tag) =	ssettag $0x1  }
0x1: {  	s1 =	srdreg.scid  }
0x2: {  	s0 =	stileid.u32;
	s5 =	rddreg [dreg:$0x0]  }
0x3: {  	s2 =	simm.s32 $0x0;
	s8 =	simm.s32 $0x80;
	s9 =	simm.s32 $0x400  }
0x4: {  	s10 =	simm.s32 $0x0;
	s3 =	sand.u32 $0x1, s1;
	s29 =	sshll.u32 s0, $0x1  }
0x5: {  	s30 =	sshrl.u32 s0, $0x2;
	s1 =	rddreg [dreg:$0x1];
	s4 =	sor.u32 s3, s29  }
0x6: {  	[smem:$0x7FF] =	sst s2;
	s6 =	smul.u32 $0x13C00, s30;
	s7 =	sshll.u32 s4, $0x7  }
0x7: {  	s3 =	ssub.s32 $0x2, s3;
	s4 =	smul.u32 $0x4E2, s4;
	s7 =	sand.u32 $0x380, s7  }
0x8: {  	_ =	strace $0x80000047;
	s31 =	sshrl.u32 s3, $0x1;
	s6 =	sor.u32 s6, s7  }
0x9: {  	s4 =	sadd.s32 s4, s5;
	s7 =	simm.s32 $0x2780;
	s6 =	sshrl.u32 s6, $0x3  }
0xa: {  	s5 =	sadd.s32 s6, s5;
	s6 =	ssub.s32 s3, s31;
	s3 =	sadd.s32 $0x1C00, s4  }
0xb: {  	v0 =	vimm.f32 $0.0e+00;
	v1 =	vimm.f32 $1.000000000e+00;
	s4 =	sadd.s32 $0xBA00, s5;
	s5 =	smax.u32 s6, $0x1;
	s6 =	simm.s32 $0x1  }
.LBB2_1:
0xc: {  	[tilespmem:s2], [sflag:$0x1] =	stream.linear.gather [hbm4b:s3+s2], $0x2710, $0x38;
	[tilespmem:$0x4F00] =	vst v63  }
0xd: {  	_ =	swait.ge [sflag:s6], $0x2710  }
0xe: {  	[sflag:s6] =	ssyncset.done $0x0  }
0xf: {  	s13 =	simm.s32 $0x27C0;
	[sflag:s6] =	ssyncadd.s32 $0xFFFFD8F0  }
0x10: {  	[tilespmem:s13+$0xFFFFFFC0] =	vst v0  }
0x11: {  	[tilespmem:s13+$0x30] =	vst v0  }
0x12: {  	[tilespmem:s13+$0x20] =	vst v0  }
0x13: {  	[tilespmem:s13+$0x10] =	vst v0  }
0x14: {  	[tilespmem:s13+$0x0] =	vst v0  }
0x15: {  	[tilespmem:s13+$0xFFFFFFF0] =	vst v0  }
0x16: {  	s14 =	simm.s32 $0x0;
	s11 =	simm.s32 $0x20;
	[tilespmem:s13+$0xFFFFFFE0] =	vst v0  }
.LBB2_2:
0x17: {  	s14 =	sadd.s32 $0x8, s14;
	[tilespmem:s13+$0xFFFFFFD0] =	vst v0;
	s13 =	sadd.s32 $0x80, s13;
	s12 =	simm.s32 $0xFFFFFFFB  }
0x18: {  	[tilespmem:s13+$0xFFFFFFC0] =	vst v0;
	p0 =	slt.u32 s14, $0x270  }
0x19: {  	[tilespmem:s13+$0x30] =	vst v0  }
.Ltmp0:
0x1a: {  	[tilespmem:s13+$0x20] =	vst v0;
	(pc) =	sbr.rel @p0 .LBB2_2-.Ltmp0, $4  }
0x1b: {  	[tilespmem:s13+$0x10] =	vst v0  }
0x1c: {  	[tilespmem:s13+$0x0] =	vst v0  }
0x1d: {  	[tilespmem:s13+$0xFFFFFFF0] =	vst v0  }
0x1e: {  	[tilespmem:s13+$0xFFFFFFE0] =	vst v0  }
0x1f: {  	[tilespmem:s13+$0xFFFFFFD0] =	vst v0  }
.LBB2_4:
0x20: {  	v2 =	vld [tilespmem:s11+$0xFFFFFFE0];
	_ =	sdelay $0x7  }
0x21: {  	[tilespmem:v2+s7+$0x0] =	vst.idx.add.f32.msk $0xffff, v1  }
0x22: {  	v2 =	vld [tilespmem:s11+$0xFFFFFFF0];
	_ =	sdelay $0x7  }
0x23: {  	[tilespmem:v2+s7+$0x0] =	vst.idx.add.f32.msk $0xffff, v1  }
0x24: {  	v2 =	vld [tilespmem:s11+$0x0];
	_ =	sdelay $0x7  }
0x25: {  	[tilespmem:v2+s7+$0x0] =	vst.idx.add.f32.msk $0xffff, v1  }
0x26: {  	v2 =	vld [tilespmem:s11+$0x10];
	_ =	sdelay $0x7  }
0x27: {  	[tilespmem:v2+s7+$0x0] =	vst.idx.add.f32.msk $0xffff, v1  }
0x28: {  	v2 =	vld [tilespmem:s11+$0x20];
	_ =	sdelay $0x1  }
0x29: {  	s12 =	sadd.s32 $0x5, s12  }
0x2a: {  	p0 =	slt.u32 s12, $0x26C  }
.Ltmp1:
0x2b: {  	_ = 	snop;
	(pc) =	sbr.rel @p0 .LBB2_4-.Ltmp1, $2  }
0x2c: {  	_ =	sdelay $0x2  }
0x2d: {  	s11 =	sadd.s32 $0x50, s11;
	[tilespmem:v2+s7+$0x0] =	vst.idx.add.f32.msk $0xffff, v1  }
0x2e: {  	s10 =	sadd.s32 $0x1, s10  }
0x2f: {  	p0 =	sne.s32 s10, s5  }
.Ltmp2:
0x30: {  	_ = 	snop;
	(pc) =	sbr.rel @p0 .LBB2_1-.Ltmp2, $4  }
0x31: {  	[hbm4b:s4+s8] =	stream.strided.scatter [tilespmem:s7], [sflag:$0x1], $0x2780, s9, s8, $0x38;
	[tilespmem:$0x4F00] =	vst v63  }
0x32: {  	_ =	swait.ge [sflag:s6], $0x2780  }
0x33: {  	[sflag:s6] =	ssyncset.done $0x0  }
0x34: {  	[sflag:s6] =	ssyncadd.s32 $0xFFFFD880  }
0x35: {  	_ =	sfence.sel $0x180000  }
0x36: {  	[bflag:$0x0] =	sbarrier.arrive $0xFFFF  }
0x37: {  	p0 =	sne.s32 s0, $0x0;
	_ =	strace $0x90000047  }
0x38: {  	s0 =	sadd.s32 @!p0 $0x100000, s1;
	[bflag:$0x2] =	sbarrier.arrive $0xFFFF  }
0x39: {  	[sflag:s0] =	ssyncadd.tile.s32 @!p0 $0x1;
	_ =	shalt  }
.Lfunc_end2:
_tile_overlayer_lowered:
.L_overlay_start_2:
0x3a: {  	(tag) =	ssettag $0x2  }
0x3b: {  	s0 =	rddreg [dreg:$0x0];
	s2 =	stileid.u32  }
0x3c: {  	s1 =	rddreg [dreg:$0x1];
	p0 =	sne.s32 s2, $0x0  }
0x3d: {  	s3 =	rddreg [dreg:$0x2];
	[bflag:$0x3] =	sbarrier.arrive $0xFFFF;
	s2 =	simm.s32 @!p0 $0x1C01  }
0x3e: {  	[timem:s3], [sflag:s2] =	dma.local @!p0 [hbm:s0], s1  }
0x3f: {  	s0 =	simm.s32 @!p0 $0x1  }
0x40: {  	_ =	swait.ge @!p0 [sflag:s0], s1  }
0x41: {  	s1 =	ssub.s32 @!p0 $0x0, s1;
	[sflag:s0] =	ssyncset.done @!p0 $0x0  }
0x42: {  	[sflag:s0] =	ssyncadd.s32 @!p0 s1  }
0x43: {  	[bflag:$0x3] =	sbarrier.arrive $0xFFFF  }
0x44: {  	_ =	shalt  }

// kernel: kernel.9.cloned.1.call-start
scs
__scs_entry_jumppad:
0x0: {  	(pc) =	sbr.rel $0x88, $3  }
0x1: {  	(tag) =	ssettag $0x0;
	lr =	simm.s32 $0x1  }
0x2: {  	[smem:$0x3F9B] =	sst lr;
	_ =	strace $0xD0000000  }
0x3: {  	_ = 	snop  }
0x4: {  	_ = 	snop  }
0x5: {  	_ = 	snop  }
0x6: {  	_ = 	snop  }
0x7: {  	_ = 	snop  }
__scs_overlays_trampoline_lowered:
0x8: {  	[smem:$0x3FAA] =	sst s0  }
0x9: {  	[smem:$0x3FAB] =	sst s1  }
0xa: {  	[smem:$0x3FAC] =	sst s2  }
0xb: {  	[smem:$0x3FAD] =	sst s3  }
0xc: {  	[smem:$0x3FAE] =	sst s4  }
0xd: {  	[smem:$0x3FAF] =	sst s5  }
0xe: {  	[smem:$0x3FB0] =	sst s6  }
0xf: {  	[smem:$0x3FB1] =	sst s7  }
0x10: {  	[smem:$0x3FB2] =	sst s8  }
0x11: {  	[smem:$0x3FB3] =	sst s9;
	s0 =	simm.s32 @!p0 $0x0  }
0x12: {  	s1 =	sld [smem:$0x3F99];
	s0 =	simm.s32 @p0 $0x1  }
0x13: {  	[smem:$0x3FB4] =	sst s0;
	s0 =	simm.s32 @!p1 $0x0  }
0x14: {  	s2 =	sld [smem:$0x3F98];
	s0 =	simm.s32 @p1 $0x1  }
0x15: {  	[smem:$0x3FB5] =	sst s0;
	s0 =	simm.s32 @!p2 $0x0  }
0x16: {  	s3 =	sld [smem:$0x3FDB];
	s0 =	simm.s32 @p2 $0x1  }
0x17: {  	s4 =	simm.s32 $0x1BF5;
	[smem:$0x3FB7] =	sst s0  }
0x18: {  	s0 =	sld [smem:$0x3F9A];
	_ =	swait.ge [sflag:s4], $0x0  }
0x19: {  	s7 =	sld [smem:$0x3F9B]  }
0x1a: {  	s8 =	sadd.s32 $0xFFFFE003, lr  }
0x1b: {  	s9 =	sadd.s32 $0xFFFFFEF7, lr;
	s5 =	simm.s32 $0xFFFFFFFF;
	p2 =	slt.u32 s8, $0xFFFFF086  }
0x1c: {  	p1 =	slt.u32 s9, $0xF7A;
	s5 =	simm.s32 @!p2 $0x0  }
0x1d: {  	s5 =	simm.s32 @p1 $0x1;
	p0 =	seq.s32 s7, s2  }
0x1e: {  	s7 =	smul.u32 @!p0 $0xF7A, s2;
	p2 =	seq.s32 @!p0 s5, $0x0  }
0x1f: {  	s9 =	smul.u32 $0xF7A, s1;
	s8 =	simm.s32 @!p0 $0x1BF5;
	p2 =	por !p2, p0  }
0x20: {  	[sflag:s8] =	ssyncset.s32 @!p0 $0xFFFFF086;
	s6 =	sadd.s32 @!p0 s3, s7;
	s7 =	simm.s32 @!p0 $0x108  }
0x21: {  	s3 =	sadd.s32 s3, s9;
	s6 =	sadd.s32 @!p0 $0x88, s6;
	s7 =	simm.s32 @p2 $0x1082  }
0x22: {  	[simem:s7], [sflag:s8] =	dma.local @!p0 [hbm:s6], $0xF7A  }
0x23: {  	s9 =	sor.u32 $0xD0000000, s2;
	s6 =	simm.s32 $0x108;
	_ =	swait.ge @!p0 [sflag:s8], $0x0  }
0x24: {  	s3 =	sadd.s32 $0x88, s3;
	s6 =	simm.s32 @!p1 $0x1082;
	[sflag:s4] =	ssyncset.s32 $0xFFFFF086  }
0x25: {  	[simem:s6], [sflag:s4] =	dma.local [hbm:s3], $0xF7A  }
0x26: {  	[smem:$0x3F9B] =	sst s1;
	(tag) =	ssettag s2;
	_ =	strace s9  }
0x27: {  	s1 =	sld [smem:$0x3FAB]  }
0x28: {  	s2 =	sld [smem:$0x3FAC]  }
0x29: {  	s4 =	sld [smem:$0x3FAE]  }
0x2a: {  	p0 =	seq.s32 s5, $0x0;
	s5 =	sld [smem:$0x3FAF]  }
0x2b: {  	s6 =	sld [smem:$0x3FB0]  }
0x2c: {  	s7 =	sld [smem:$0x3FB1]  }
0x2d: {  	s3 =	simm.s32 $0x108;
	s8 =	sld [smem:$0x3FB2]  }
0x2e: {  	s3 =	simm.s32 @!p0 $0x1082;
	s9 =	sld [smem:$0x3FB3]  }
0x2f: {  	lr =	sadd.s32 s0, s3;
	s0 =	sld [smem:$0x3FAA]  }
0x30: {  	s3 =	sld [smem:$0x3FAD]  }
0x31: {  	[smem:$0x3FB6] =	sst s10  }
0x32: {  	s10 =	sld [smem:$0x3FB4];
	_ =	sdelay $0x3  }
0x33: {  	p0 =	seq.s32 s10, $0x1;
	s10 =	sld [smem:$0x3FB6];
	_ =	sdelay $0x3  }
0x34: {  	[smem:$0x3FB6] =	sst s10  }
0x35: {  	s10 =	sld [smem:$0x3FB5];
	_ =	sdelay $0x3  }
0x36: {  	p1 =	seq.s32 s10, $0x1;
	s10 =	sld [smem:$0x3FB6];
	_ =	sdelay $0x3  }
0x37: {  	[smem:$0x3FB6] =	sst s10  }
0x38: {  	s10 =	sld [smem:$0x3FB7]  }
0x39: {  	_ = 	snop;
	(pc) =	sbr.ind lr, $3  }
0x3a: {  	_ = 	snop  }
0x3b: {  	_ = 	snop  }
0x3c: {  	p2 =	seq.s32 s10, $0x1;
	s10 =	sld [smem:$0x3FB6]  }
0x3d: {  	_ =	shalt  }
0x3e: {  	_ =	shalt  }
0x3f: {  	_ =	shalt  }
0x40: {  	_ =	shalt  }
0x41: {  	_ =	shalt  }
0x42: {  	_ =	shalt  }
0x43: {  	_ =	shalt  }
0x44: {  	_ =	shalt  }
0x45: {  	_ =	shalt  }
0x46: {  	_ =	shalt  }
0x47: {  	_ =	shalt  }
0x48: {  	_ =	shalt  }
0x49: {  	_ =	shalt  }
0x4a: {  	_ =	shalt  }
0x4b: {  	_ =	shalt  }
0x4c: {  	_ =	shalt  }
0x4d: {  	_ =	shalt  }
0x4e: {  	_ =	shalt  }
0x4f: {  	_ =	shalt  }
0x50: {  	_ =	shalt  }
0x51: {  	_ =	shalt  }
0x52: {  	_ =	shalt  }
0x53: {  	_ =	shalt  }
0x54: {  	_ =	shalt  }
0x55: {  	_ =	shalt  }
0x56: {  	_ =	shalt  }
0x57: {  	_ =	shalt  }
0x58: {  	_ =	shalt  }
0x59: {  	_ =	shalt  }
0x5a: {  	_ =	shalt  }
0x5b: {  	_ =	shalt  }
0x5c: {  	_ =	shalt  }
0x5d: {  	_ =	shalt  }
0x5e: {  	_ =	shalt  }
0x5f: {  	_ =	shalt  }
0x60: {  	_ =	shalt  }
0x61: {  	_ =	shalt  }
0x62: {  	_ =	shalt  }
0x63: {  	_ =	shalt  }
0x64: {  	_ =	shalt  }
0x65: {  	_ =	shalt  }
0x66: {  	_ =	shalt  }
0x67: {  	_ =	shalt  }
0x68: {  	_ =	shalt  }
0x69: {  	_ =	shalt  }
0x6a: {  	_ =	shalt  }
0x6b: {  	_ =	shalt  }
0x6c: {  	_ =	shalt  }
0x6d: {  	_ =	shalt  }
0x6e: {  	_ =	shalt  }
0x6f: {  	_ =	shalt  }
0x70: {  	_ =	shalt  }
0x71: {  	_ =	shalt  }
0x72: {  	_ =	shalt  }
0x73: {  	_ =	shalt  }
0x74: {  	_ =	shalt  }
0x75: {  	_ =	shalt  }
0x76: {  	_ =	shalt  }
0x77: {  	_ =	shalt  }
0x78: {  	_ =	shalt  }
0x79: {  	_ =	shalt  }
0x7a: {  	_ =	shalt  }
0x7b: {  	_ =	shalt  }
0x7c: {  	_ =	shalt  }
0x7d: {  	_ =	shalt  }
0x7e: {  	_ =	shalt  }
0x7f: {  	_ =	shalt  }
0x80: {  	_ =	shalt  }
0x81: {  	_ =	shalt  }
0x82: {  	_ =	shalt  }
0x83: {  	_ =	shalt  }
0x84: {  	_ =	shalt  }
0x85: {  	_ =	shalt  }
0x86: {  	_ =	shalt  }
0x87: {  	_ =	shalt  }
.Lfunc_end0:
.L_simem_size_0:
called_computation.1_lowered:
.L_overlay_start_0:
0x88: {  	s2 =	sld [smem:$0x3FD9]  }
0x89: {  	s3 =	sld [smem:$0x3FFE];
	_ =	sdelay $0x1  }
0x8a: {  	s1 =	srdreg.scid  }
0x8b: {  	s0 =	sand.u32 $0x1, s1  }
0x8c: {  	s17 =	sshll.u32 s0, $0xA;
	s2 =	sadd.s32 s3, s2  }
0x8d: {  	s2 =	sadd.s32 s2, s17  }
0x8e: {  	[smem:$0x3FC2] =	sst s2  }
0x8f: {  	_ = 	snop  }
0x90: {  	s2 =	sld [smem:$0x3FD0];
	(tm) =	ssettm $0x1  }
0x91: {  	s18 =	sld [smem:$0x3FFB];
	_ =	sdelay $0x3  }
0x92: {  	_ =	strace s18  }
0x93: {  	s3 =	sld [smem:$0x3FFC];
	_ =	sdelay $0x3  }
0x94: {  	_ =	strace s3  }
0x95: {  	s3 =	sld [smem:$0x3FFD];
	_ =	sdelay $0x3  }
0x96: {  	_ =	strace s3  }
0x97: {  	_ =	strace $0x8FFFFFFF  }
0x98: {  	s19 =	sld [smem:$0x3FDB];
	_ =	sdelay $0x1  }
0x99: {  	s4 =	simm.s32 $_scs_section_size  }
0x9a: {  	s5 =	simm.s32 $_size__tile_overlayer_lowered;
	s6 =	simm.s32 $_tile_overlayer_lowered  }
0x9b: {  	s22 =	simm.s32 $0x1BFF;
	s21 =	sshll.u32 s6, $0x1;
	s3 =	sadd.s32 s4, s19  }
0x9c: {  	s7 =	simm.s32 $0x0;
	s20 =	sshll.u32 s5, $0x1;
	s5 =	sadd.s32 s21, s3  }
0x9d: {  	[timem:s7], [sflag:s22] =	dma.local [hbm:s5], s20  }
0x9e: {  	_ =	swait.ge [sflag:s22], s20  }
0x9f: {  	s4 =	ssub.s32 $0x0, s20;
	[sflag:s22] =	ssyncset.done $0x0  }
0xa0: {  	[sflag:s22] =	ssyncadd.s32 s4;
	_ =	sdelay $0x1  }
0xa1: {  	s23 =	simm.s32 $0x1B8B  }
0xa2: {  	_ =	swait.ge [sflag:s23], $0x1  }
0xa3: {  	[sflag:s23] =	ssyncset.done $0x0  }
0xa4: {  	s25 =	simm.s32 $0x1B8E;
	s24 =	sld [smem:$0x3FFE];
	[sflag:s23] =	ssyncadd.s32 $0xFFFFFFFF  }
0xa5: {  	s26 =	simm.s32 $execute0_lowered;
	[smem:$0x3FD2] =	sst s25  }
0xa6: {  	s5 =	sshll.u32 s26, $0x1;
	_ =	strace $0x80000049;
	[dreg:$0x1] =	wrdreg $0xFFFFFFFF  }
0xa7: {  	s28 =	simm.s32 $_size_execute0_lowered;
	s3 =	sadd.s32 s3, s5;
	[dreg:$0x0] =	wrdreg $0x0  }
0xa8: {  	s5 =	sshll.u32 s28, $0x1;
	[dreg:$0x2] =	wrdreg s3  }
0xa9: {  	[dreg:$0x3] =	wrdreg s5  }
0xaa: {  	[dreg:$0x4] =	wrdreg $0xC0  }
0xab: {  	_ =	task [dreg:s7], $0x5FFFF  }
0xac: {  	[dreg:$0x1] =	wrdreg $0xFFFFFFFF  }
0xad: {  	[dreg:$0x0] =	wrdreg $0x60  }
0xae: {  	[dreg:$0x2] =	wrdreg s24  }
0xaf: {  	[dreg:$0x3] =	wrdreg s2  }
0xb0: {  	[dreg:$0x4] =	wrdreg $0xA0000  }
0xb1: {  	[dreg:$0x5] =	wrdreg $0x9  }
0xb2: {  	_ =	task.clear_ibuf [dreg:s7], $0x6FFFF;
	_ =	strace $0x90000049  }
0xb3: {  	s29 =	simm.s32 $0x9;
	_ =	strace $0x8000004B  }
0xb4: {  	_ =	swait.ge [sflag:s29], $0x1  }
0xb5: {  	[sflag:s29] =	ssyncadd.s32 $0xFFFFFFFF  }
0xb6: {  	_ =	strace $0x9000004B  }
0xb7: {  	_ =	sfence  }
0xb8: {  	s30 =	sld [smem:$0x0];
	_ =	sdelay $0x2  }
0xb9: {  	s31 =	sshll.u32 s1, $0xD;
	s1 =	sshrl.u32 s1, $0x2  }
0xba: {  	s3 =	sand.u32 $0x4000, s31;
	s1 =	sadd.s32 s1, s30  }
0xbb: {  	s0 =	sor.u32 s3, s0;
	s1 =	sshll.u32 s1, $0x11  }
0xbc: {  	s0 =	sor.u32 s1, s0  }
0xbd: {  	s0 =	sadd.s32 $0x8F2B, s0  }
0xbe: {  	[sflag:s0] =	ssyncadd.remote.s32 $0x1  }
0xbf: {  	_ =	sfence.sel $0xFFFF  }
0xc0: {  	[dreg:$0x0] =	wrdreg $0xFFFFFFFF;
	(pc) =	sbr.abs _section_cstart, $3  }
0xc1: {  	[dreg:$0x1] =	wrdreg $0xFFFFFFFF  }
0xc2: {  	_ =	task.clear_ibuf [dreg:s7], $0x2FFFF;
	_ =	strace $0x9FFFFFFF  }
0xc3: {  	(tm) =	ssettm $0x7FFFFFFF  }
tec
execute0_lowered:
.L_overlay_start_1:
0x0: {  	(tag) =	ssettag $0x1  }
0x1: {  	s0 =	srdreg.scid  }
0x2: {  	s13 =	stileid.u32;
	s1 =	rddreg [dreg:$0x0]  }
0x3: {  	s7 =	rddreg [dreg:$0x1];
	s18 =	simm.s32 $0x20;
	s19 =	simm.s32 $0x5000  }
0x4: {  	s20 =	simm.s32 $0x6000;
	s22 =	simm.s32 $0x7000;
	s28 =	simm.s32 $0x2  }
0x5: {  	s29 =	simm.s32 $0x3;
	s30 =	simm.s32 $0x4;
	s31 =	simm.s32 $0x5  }
0x6: {  	s0 =	sand.u32 $0x1, s0;
	s2 =	sshll.u32 s13, $0x1;
	s9 =	smul.u32 $0x13C00, s13  }
0x7: {  	s4 =	sadd.s32 $0x1F800, s1;
	s23 =	sadd.s32 $0x1C00, s1;
	s12 =	smul.u32 $0x4F000, s13  }
0x8: {  	s3 =	sor.u32 s0, s2;
	s2 =	rddreg [dreg:$0x2];
	s5 =	smul.u32 $0x13C000, s0  }
0x9: {  	s11 =	ssub.s32 $0x2, s0;
	p0 =	seq.s32 s0, $0x1;
	s8 =	smul.u32 $0x500, s3  }
0xa: {  	s3 =	simm.s32 $0x0;
	s24 =	sshrl.u32 s11, $0x1;
	s25 =	sshrl.u32 s9, $0x3  }
0xb: {  	s26 =	sshrl.u32 s12, $0x2;
	s12 =	simm.s32 $0x6;
	[smem:$0x7FF] =	sst s3  }
0xc: {  	s10 =	sadd.s32 s9, s5;
	s11 =	ssub.s32 s11, s24;
	s0 =	sadd.s32 s26, s2  }
0xd: {  	s24 =	simm.s32 $0x8000;
	s26 =	simm.s32 $0x1;
	_ =	strace $0x8000004A  }
0xe: {  	s6 =	sadd.s32 s8, s1;
	[dreg:$0x4] =	wrdreg s23;
	s10 =	sshrl.u32 s10, $0x3  }
0xf: {  	s7 =	sadd.s32 s7, s8;
	s8 =	sadd.s32 s9, s2;
	s9 =	sadd.s32 s4, s25  }
0x10: {  	s11 =	smax.u32 s11, $0x1;
	s15 =	sshrl.u32 @p0 s0, $0x3;
	s25 =	simm.s32 $0x9000  }
0x11: {  	s1 =	sadd.s32 s10, s1;
	s6 =	sadd.s32 $0x15800, s6;
	s17 =	sshrl.u32 @!p0 s8, $0x3  }
0x12: {  	s10 =	sadd.s32 $0x47000, s1;
	s1 =	sshll.u32 @p0 s13, $0x6;
	s13 =	sshll.u32 @!p0 s13, $0x6  }
0x13: {  	s14 =	sor.u32 @p0 $0x1C06, s1;
	s16 =	sor.u32 @!p0 $0x1C06, s13;
	s13 =	simm.s32 $0x0  }
.LBB2_1:
0x14: {  	[tilespmem:s3], [sflag:$0x6] =	stream.linear.gather [hbm4b:s6+s3], $0x2800, $0x38;
	[tilespmem:$0x1DC00] =	vst v63  }
0x15: {  	_ =	swait.ge [sflag:s12], $0x2800  }
0x16: {  	[sflag:s12] =	ssyncset.done $0x0  }
0x17: {  	s0 =	simm.s32 $0x2800;
	[sflag:s12] =	ssyncadd.s32 $0xFFFFD800  }
0x18: {  	[tilespmem:s0], [sflag:$0x6] =	stream.linear.gather [hbm4b:s7+s3], $0x2800, $0x38;
	[tilespmem:$0x1DC00] =	vst v63  }
0x19: {  	_ =	swait.ge [sflag:s12], $0x2800  }
0x1a: {  	[sflag:s12] =	ssyncset.done $0x0  }
0x1b: {  	s0 =	rddreg [dreg:$0x4];
	[sflag:s12] =	ssyncadd.s32 $0xFFFFD800  }
0x1c: {  	[spmem:s15], [sflag:s14] =	dma.local @p0 [hbm:s0], $0x2780  }
0x1d: {  	[spmem:s17], [sflag:s16] =	dma.local @!p0 [hbm:s9], $0x2780  }
0x1e: {  	_ =	swait.ge [sflag:s12], $0x2780  }
0x1f: {  	[sflag:s12] =	ssyncset.done $0x0  }
0x20: {  	[sflag:s12] =	ssyncadd.s32 $0xFFFFD880  }
0x21: {  	[tilespmem:s19], [sflag:$0x1] =	stream.indirect.gather [hbm4b:s4+s18], $0x80, s3, s18, $0xb8;
	[tilespmem:$0x1DC00] =	vst v63  }
0x22: {  	_ = 	snop  }
0x23: {  	[tilespmem:s20], [sflag:$0x2] =	stream.indirect.gather [hbm4b:s4+s18], $0x80, s18, s18, $0xb8;
	[tilespmem:$0x1DC00] =	vst v63  }
0x24: {  	s1 =	simm.s32 $0x40  }
0x25: {  	[tilespmem:s22], [sflag:$0x3] =	stream.indirect.gather [hbm4b:s4+s18], $0x80, s1, s18, $0xb8;
	[tilespmem:$0x1DC00] =	vst v63  }
0x26: {  	s5 =	simm.s32 $0x60  }
0x27: {  	[tilespmem:s24], [sflag:$0x4] =	stream.indirect.gather [hbm4b:s4+s18], $0x80, s5, s18, $0xb8;
	[tilespmem:$0x1DC00] =	vst v63  }
0x28: {  	s21 =	simm.s32 $0x80;
	[bflag:$0x0] =	sbarrier.arrive $0xFFFF  }
0x29: {  	[tilespmem:s25], [sflag:$0x5] =	stream.indirect.gather [hbm4b:s4+s18], $0x80, s21, s18, $0xb8;
	[tilespmem:$0x1DC00] =	vst v63  }
0x2a: {  	_ =	swait.ge [sflag:s26], $0x1000  }
0x2b: {  	[sflag:s26] =	ssyncset.done $0x0  }
0x2c: {  	s23 =	simm.s32 $0x2800;
	[sflag:s26] =	ssyncadd.s32 $0xFFFFF000  }
0x2d: {  	[spmem:s2] =	stream.indirect.scatter.add.f32 [tilespmem:s19], [sflag:$0x6], $0x80, s23, s18, $0xb8;
	[tilespmem:$0x1DC00] =	vst v63  }
0x2e: {  	_ =	swait.ge [sflag:s12], $0x1000  }
0x2f: {  	[sflag:s12] =	ssyncset.done $0x0  }
0x30: {  	s1 =	simm.s32 $0xA0;
	[sflag:s12] =	ssyncadd.s32 $0xFFFFF000  }
0x31: {  	[tilespmem:s19], [sflag:$0x1] =	stream.indirect.gather [hbm4b:s4+s18], $0x80, s1, s18, $0xb8;
	[tilespmem:$0x1DC00] =	vst v63  }
0x32: {  	_ =	swait.ge [sflag:s28], $0x1000  }
0x33: {  	[sflag:s28] =	ssyncset.done $0x0  }
0x34: {  	s5 =	simm.s32 $0x2820;
	[sflag:s28] =	ssyncadd.s32 $0xFFFFF000  }
0x35: {  	[spmem:s2] =	stream.indirect.scatter.add.f32 [tilespmem:s20], [sflag:$0x6], $0x80, s5, s18, $0xb8;
	[tilespmem:$0x1DC00] =	vst v63  }
0x36: {  	_ =	swait.ge [sflag:s12], $0x1000  }
0x37: {  	[sflag:s12] =	ssyncset.done $0x0  }
0x38: {  	s21 =	simm.s32 $0xC0;
	[sflag:s12] =	ssyncadd.s32 $0xFFFFF000  }
0x39: {  	[tilespmem:s20], [sflag:$0x2] =	stream.indirect.gather [hbm4b:s4+s18], $0x80, s21, s18, $0xb8;
	[tilespmem:$0x1DC00] =	vst v63  }
0x3a: {  	_ =	swait.ge [sflag:s29], $0x1000  }
0x3b: {  	[sflag:s29] =	ssyncset.done $0x0  }
0x3c: {  	s23 =	simm.s32 $0x2840;
	[sflag:s29] =	ssyncadd.s32 $0xFFFFF000  }
0x3d: {  	[spmem:s2] =	stream.indirect.scatter.add.f32 [tilespmem:s22], [sflag:$0x6], $0x80, s23, s18, $0xb8;
	[tilespmem:$0x1DC00] =	vst v63  }
0x3e: {  	_ =	swait.ge [sflag:s12], $0x1000  }
0x3f: {  	[sflag:s12] =	ssyncset.done $0x0  }
0x40: {  	s1 =	simm.s32 $0xE0;
	[sflag:s12] =	ssyncadd.s32 $0xFFFFF000  }
0x41: {  	[tilespmem:s22], [sflag:$0x3] =	stream.indirect.gather [hbm4b:s4+s18], $0x80, s1, s18, $0xb8;
	[tilespmem:$0x1DC00] =	vst v63  }
0x42: {  	_ =	swait.ge [sflag:s30], $0x1000  }
0x43: {  	[sflag:s30] =	ssyncset.done $0x0  }
0x44: {  	s5 =	simm.s32 $0x2860;
	[sflag:s30] =	ssyncadd.s32 $0xFFFFF000  }
0x45: {  	[spmem:s2] =	stream.indirect.scatter.add.f32 [tilespmem:s24], [sflag:$0x6], $0x80, s5, s18, $0xb8;
	[tilespmem:$0x1DC00] =	vst v63  }
0x46: {  	_ =	swait.ge [sflag:s12], $0x1000  }
0x47: {  	[sflag:s12] =	ssyncset.done $0x0  }
0x48: {  	s21 =	simm.s32 $0x100;
	[sflag:s12] =	ssyncadd.s32 $0xFFFFF000  }
0x49: {  	[tilespmem:s24], [sflag:$0x4] =	stream.indirect.gather [hbm4b:s4+s18], $0x80, s21, s18, $0xb8;
	[tilespmem:$0x1DC00] =	vst v63  }
0x4a: {  	_ =	swait.ge [sflag:s31], $0x1000  }
0x4b: {  	[sflag:s31] =	ssyncset.done $0x0  }
0x4c: {  	s23 =	simm.s32 $0x2880;
	[sflag:s31] =	ssyncadd.s32 $0xFFFFF000  }
0x4d: {  	[spmem:s2] =	stream.indirect.scatter.add.f32 [tilespmem:s25], [sflag:$0x6], $0x80, s23, s18, $0xb8;
	[tilespmem:$0x1DC00] =	vst v63  }
0x4e: {  	_ =	swait.ge [sflag:s12], $0x1000  }
0x4f: {  	s21 =	simm.s32 $0xA0;
	s23 =	simm.s32 $0x500;
	[sflag:s12] =	ssyncset.done $0x0  }
.LBB2_2:
0x50: {  	s5 =	sadd.s32 $0x80, s21  }
0x51: {  	[sflag:s12] =	ssyncadd.s32 $0xFFFFF000;
	s0 =	smov.u32 s23;
	s1 =	sadd.s32 $0x280, s23  }
0x52: {  	[tilespmem:s25], [sflag:$0x5] =	stream.indirect.gather [hbm4b:s4+s18], $0x80, s5, s18, $0xb8;
	[tilespmem:$0x1DC00] =	vst v63  }
0x53: {  	p1 =	sne.s32 s23, $0x9B00;
	_ =	swait.ge [sflag:s26], $0x1000  }
0x54: {  	[sflag:s26] =	ssyncset.done $0x0  }
0x55: {  	s5 =	sadd.s32 $0x2800, s21;
	[sflag:s26] =	ssyncadd.s32 $0xFFFFF000  }
0x56: {  	[spmem:s2] =	stream.indirect.scatter.add.f32 [tilespmem:s19], [sflag:$0x6], $0x80, s5, s18, $0xb8;
	[tilespmem:$0x1DC00] =	vst v63  }
0x57: {  	_ =	swait.ge [sflag:s12], $0x1000  }
0x58: {  	[sflag:s12] =	ssyncset.done $0x0  }
0x59: {  	s5 =	sadd.s32 $0xA0, s21;
	[sflag:s12] =	ssyncadd.s32 $0xFFFFF000  }
0x5a: {  	[tilespmem:s19], [sflag:$0x1] =	stream.indirect.gather [hbm4b:s4+s18], $0x80, s5, s18, $0xb8;
	[tilespmem:$0x1DC00] =	vst v63  }
0x5b: {  	_ =	swait.ge [sflag:s28], $0x1000  }
0x5c: {  	[sflag:s28] =	ssyncset.done $0x0  }
0x5d: {  	s5 =	sadd.s32 $0x2820, s21;
	[sflag:s28] =	ssyncadd.s32 $0xFFFFF000  }
0x5e: {  	[spmem:s2] =	stream.indirect.scatter.add.f32 [tilespmem:s20], [sflag:$0x6], $0x80, s5, s18, $0xb8;
	[tilespmem:$0x1DC00] =	vst v63  }
0x5f: {  	_ =	swait.ge [sflag:s12], $0x1000  }
0x60: {  	[sflag:s12] =	ssyncset.done $0x0  }
0x61: {  	s5 =	sadd.s32 $0xC0, s21;
	[sflag:s12] =	ssyncadd.s32 $0xFFFFF000  }
0x62: {  	[tilespmem:s20], [sflag:$0x2] =	stream.indirect.gather [hbm4b:s4+s18], $0x80, s5, s18, $0xb8;
	[tilespmem:$0x1DC00] =	vst v63  }
0x63: {  	_ =	swait.ge [sflag:s29], $0x1000  }
0x64: {  	[sflag:s29] =	ssyncset.done $0x0  }
0x65: {  	s5 =	sadd.s32 $0x2840, s21;
	[sflag:s29] =	ssyncadd.s32 $0xFFFFF000  }
0x66: {  	[spmem:s2] =	stream.indirect.scatter.add.f32 [tilespmem:s22], [sflag:$0x6], $0x80, s5, s18, $0xb8;
	[tilespmem:$0x1DC00] =	vst v63  }
0x67: {  	_ =	swait.ge [sflag:s12], $0x1000  }
0x68: {  	[sflag:s12] =	ssyncset.done $0x0  }
0x69: {  	s5 =	sadd.s32 $0xE0, s21;
	[sflag:s12] =	ssyncadd.s32 $0xFFFFF000  }
0x6a: {  	[tilespmem:s22], [sflag:$0x3] =	stream.indirect.gather [hbm4b:s4+s18], $0x80, s5, s18, $0xb8;
	[tilespmem:$0x1DC00] =	vst v63  }
0x6b: {  	_ =	swait.ge [sflag:s30], $0x1000  }
0x6c: {  	[sflag:s30] =	ssyncset.done $0x0  }
0x6d: {  	s5 =	sadd.s32 $0x2860, s21;
	[sflag:s30] =	ssyncadd.s32 $0xFFFFF000  }
0x6e: {  	[spmem:s2] =	stream.indirect.scatter.add.f32 [tilespmem:s24], [sflag:$0x6], $0x80, s5, s18, $0xb8;
	[tilespmem:$0x1DC00] =	vst v63  }
0x6f: {  	_ =	swait.ge [sflag:s12], $0x1000  }
0x70: {  	[sflag:s12] =	ssyncset.done $0x0  }
0x71: {  	s5 =	sadd.s32 $0x100, s21;
	[sflag:s12] =	ssyncadd.s32 $0xFFFFF000  }
0x72: {  	[tilespmem:s24], [sflag:$0x4] =	stream.indirect.gather [hbm4b:s4+s18], $0x80, s5, s18, $0xb8;
	[tilespmem:$0x1DC00] =	vst v63  }
0x73: {  	_ =	swait.ge [sflag:s31], $0x1000  }
.Ltmp0:
0x74: {  	[sflag:s31] =	ssyncset.done $0x0;
	(pc) =	sbr.rel @p1 .LBB2_2-.Ltmp0, $4  }
0x75: {  	s5 =	sadd.s32 $0x2880, s21;
	[sflag:s31] =	ssyncadd.s32 $0xFFFFF000  }
0x76: {  	[spmem:s2] =	stream.indirect.scatter.add.f32 [tilespmem:s25], [sflag:$0x6], $0x80, s5, s18, $0xb8;
	[tilespmem:$0x1DC00] =	vst v63  }
0x77: {  	_ =	swait.ge [sflag:s12], $0x1000  }
0x78: {  	s23 =	smov.u32 s1;
	s21 =	sshra.s32 s0, $0x2;
	[sflag:s12] =	ssyncset.done $0x0  }
0x79: {  	s0 =	sadd.s32 $0x80, s21;
	[sflag:s12] =	ssyncadd.s32 $0xFFFFF000  }
0x7a: {  	[tilespmem:s25], [sflag:$0x5] =	stream.indirect.gather [hbm4b:s4+s18], $0x80, s0, s18, $0xb8;
	[tilespmem:$0x1DC00] =	vst v63  }
0x7b: {  	_ =	swait.ge [sflag:s26], $0x1000  }
0x7c: {  	[sflag:s26] =	ssyncset.done $0x0  }
0x7d: {  	s5 =	sadd.s32 $0x2800, s21;
	[sflag:s26] =	ssyncadd.s32 $0xFFFFF000  }
0x7e: {  	[spmem:s2] =	stream.indirect.scatter.add.f32 [tilespmem:s19], [sflag:$0x6], $0x80, s5, s18, $0xb8;
	[tilespmem:$0x1DC00] =	vst v63  }
0x7f: {  	_ =	swait.ge [sflag:s12], $0x1000  }
0x80: {  	[sflag:s12] =	ssyncset.done $0x0  }
0x81: {  	s23 =	sadd.s32 $0xA0, s21;
	[sflag:s12] =	ssyncadd.s32 $0xFFFFF000  }
0x82: {  	[tilespmem:s19], [sflag:$0x1] =	stream.indirect.gather [hbm4b:s4+s18], $0x80, s23, s18, $0xb8;
	[tilespmem:$0x1DC00] =	vst v63  }
0x83: {  	_ =	swait.ge [sflag:s28], $0x1000  }
0x84: {  	[sflag:s28] =	ssyncset.done $0x0  }
0x85: {  	s1 =	sadd.s32 $0x2820, s21;
	[sflag:s28] =	ssyncadd.s32 $0xFFFFF000  }
0x86: {  	[spmem:s2] =	stream.indirect.scatter.add.f32 [tilespmem:s20], [sflag:$0x6], $0x80, s1, s18, $0xb8;
	[tilespmem:$0x1DC00] =	vst v63  }
0x87: {  	_ =	swait.ge [sflag:s12], $0x1000  }
0x88: {  	[sflag:s12] =	ssyncset.done $0x0  }
0x89: {  	s5 =	sadd.s32 $0xC0, s21;
	[sflag:s12] =	ssyncadd.s32 $0xFFFFF000  }
0x8a: {  	[tilespmem:s20], [sflag:$0x2] =	stream.indirect.gather [hbm4b:s4+s18], $0x80, s5, s18, $0xb8;
	[tilespmem:$0x1DC00] =	vst v63  }
0x8b: {  	_ =	swait.ge [sflag:s29], $0x1000  }
0x8c: {  	[sflag:s29] =	ssyncset.done $0x0  }
0x8d: {  	s23 =	sadd.s32 $0x2840, s21;
	[sflag:s29] =	ssyncadd.s32 $0xFFFFF000  }
0x8e: {  	[spmem:s2] =	stream.indirect.scatter.add.f32 [tilespmem:s22], [sflag:$0x6], $0x80, s23, s18, $0xb8;
	[tilespmem:$0x1DC00] =	vst v63  }
0x8f: {  	_ =	swait.ge [sflag:s12], $0x1000  }
0x90: {  	[sflag:s12] =	ssyncset.done $0x0  }
0x91: {  	s1 =	sadd.s32 $0xE0, s21;
	[sflag:s12] =	ssyncadd.s32 $0xFFFFF000  }
0x92: {  	[tilespmem:s22], [sflag:$0x3] =	stream.indirect.gather [hbm4b:s4+s18], $0x80, s1, s18, $0xb8;
	[tilespmem:$0x1DC00] =	vst v63  }
0x93: {  	_ =	swait.ge [sflag:s30], $0x1000  }
0x94: {  	[sflag:s30] =	ssyncset.done $0x0  }
0x95: {  	s5 =	sadd.s32 $0x2860, s21;
	[sflag:s30] =	ssyncadd.s32 $0xFFFFF000  }
0x96: {  	[spmem:s2] =	stream.indirect.scatter.add.f32 [tilespmem:s24], [sflag:$0x6], $0x80, s5, s18, $0xb8;
	[tilespmem:$0x1DC00] =	vst v63  }
0x97: {  	_ =	swait.ge [sflag:s12], $0x1000  }
0x98: {  	[sflag:s12] =	ssyncset.done $0x0  }
0x99: {  	s23 =	sadd.s32 $0x100, s21;
	[sflag:s12] =	ssyncadd.s32 $0xFFFFF000  }
0x9a: {  	[tilespmem:s24], [sflag:$0x4] =	stream.indirect.gather [hbm4b:s4+s18], $0x80, s23, s18, $0xb8;
	[tilespmem:$0x1DC00] =	vst v63  }
0x9b: {  	_ =	swait.ge [sflag:s31], $0x1000  }
0x9c: {  	[sflag:s31] =	ssyncset.done $0x0  }
0x9d: {  	s1 =	sadd.s32 $0x2880, s21;
	[sflag:s31] =	ssyncadd.s32 $0xFFFFF000  }
0x9e: {  	[spmem:s2] =	stream.indirect.scatter.add.f32 [tilespmem:s25], [sflag:$0x6], $0x80, s1, s18, $0xb8;
	[tilespmem:$0x1DC00] =	vst v63  }
0x9f: {  	_ =	swait.ge [sflag:s12], $0x1000  }
0xa0: {  	[sflag:s12] =	ssyncset.done $0x0  }
0xa1: {  	s5 =	simm.s32 $0x27E0;
	[sflag:s12] =	ssyncadd.s32 $0xFFFFF000  }
0xa2: {  	[tilespmem:s25], [sflag:$0x5] =	stream.indirect.gather [hbm4b:s4+s18], $0x80, s5, s18, $0xb8;
	[tilespmem:$0x1DC00] =	vst v63  }
0xa3: {  	_ =	swait.ge [sflag:s26], $0x1000  }
0xa4: {  	[sflag:s26] =	ssyncset.done $0x0  }
0xa5: {  	s21 =	simm.s32 $0x4F60;
	[sflag:s26] =	ssyncadd.s32 $0xFFFFF000  }
0xa6: {  	[spmem:s2] =	stream.indirect.scatter.add.f32 [tilespmem:s19], [sflag:$0x6], $0x80, s21, s18, $0xb8;
	[tilespmem:$0x1DC00] =	vst v63  }
0xa7: {  	_ =	swait.ge [sflag:s12], $0x1000  }
0xa8: {  	[sflag:s12] =	ssyncset.done $0x0  }
0xa9: {  	[sflag:s12] =	ssyncadd.s32 $0xFFFFF000  }
0xaa: {  	_ =	swait.ge [sflag:s28], $0x1000  }
0xab: {  	[sflag:s28] =	ssyncset.done $0x0  }
0xac: {  	s23 =	simm.s32 $0x4F80;
	[sflag:s28] =	ssyncadd.s32 $0xFFFFF000  }
0xad: {  	[spmem:s2] =	stream.indirect.scatter.add.f32 [tilespmem:s20], [sflag:$0x6], $0x80, s23, s18, $0xb8;
	[tilespmem:$0x1DC00] =	vst v63  }
0xae: {  	_ =	swait.ge [sflag:s12], $0x1000  }
0xaf: {  	[sflag:s12] =	ssyncset.done $0x0  }
0xb0: {  	[sflag:s12] =	ssyncadd.s32 $0xFFFFF000  }
0xb1: {  	_ =	swait.ge [sflag:s29], $0x1000  }
0xb2: {  	[sflag:s29] =	ssyncset.done $0x0  }
0xb3: {  	s1 =	simm.s32 $0x4FA0;
	[sflag:s29] =	ssyncadd.s32 $0xFFFFF000  }
0xb4: {  	[spmem:s2] =	stream.indirect.scatter.add.f32 [tilespmem:s22], [sflag:$0x6], $0x80, s1, s18, $0xb8;
	[tilespmem:$0x1DC00] =	vst v63  }
0xb5: {  	_ =	swait.ge [sflag:s12], $0x1000  }
0xb6: {  	[sflag:s12] =	ssyncset.done $0x0  }
0xb7: {  	[sflag:s12] =	ssyncadd.s32 $0xFFFFF000  }
0xb8: {  	_ =	swait.ge [sflag:s30], $0x1000  }
0xb9: {  	[sflag:s30] =	ssyncset.done $0x0  }
0xba: {  	s5 =	simm.s32 $0x4FC0;
	[sflag:s30] =	ssyncadd.s32 $0xFFFFF000  }
0xbb: {  	[spmem:s2] =	stream.indirect.scatter.add.f32 [tilespmem:s24], [sflag:$0x6], $0x80, s5, s18, $0xb8;
	[tilespmem:$0x1DC00] =	vst v63  }
0xbc: {  	_ =	swait.ge [sflag:s12], $0x1000  }
0xbd: {  	[sflag:s12] =	ssyncset.done $0x0  }
0xbe: {  	[sflag:s12] =	ssyncadd.s32 $0xFFFFF000  }
0xbf: {  	_ =	swait.ge [sflag:s31], $0x1000  }
0xc0: {  	[sflag:s31] =	ssyncset.done $0x0  }
0xc1: {  	s21 =	simm.s32 $0x4FE0;
	[sflag:s31] =	ssyncadd.s32 $0xFFFFF000  }
0xc2: {  	[spmem:s2] =	stream.indirect.scatter.add.f32 [tilespmem:s25], [sflag:$0x6], $0x80, s21, s18, $0xb8;
	[tilespmem:$0x1DC00] =	vst v63  }
0xc3: {  	s23 =	stileid.u32;
	_ =	swait.ge [sflag:s12], $0x1000  }
0xc4: {  	s13 =	sadd.s32 $0x1, s13;
	s0 =	sshll.u32 s23, $0x6;
	[sflag:s12] =	ssyncset.done $0x0  }
0xc5: {  	p1 =	sne.s32 s13, s11;
	s0 =	sor.u32 $0x1C06, s0;
	[sflag:s12] =	ssyncadd.s32 $0xFFFFF000  }
.Ltmp1:
0xc6: {  	s1 =	sshrl.u32 s8, $0x3;
	[bflag:$0x0] =	sbarrier.arrive $0xFFFF;
	(pc) =	sbr.rel @p1 .LBB2_1-.Ltmp1, $4  }
0xc7: {  	[hbm:s10], [sflag:s0] =	dma.local [spmem:s1], $0x2780  }
0xc8: {  	_ =	swait.ge [sflag:s12], $0x2780  }
0xc9: {  	[sflag:s12] =	ssyncset.done $0x0  }
0xca: {  	[sflag:s12] =	ssyncadd.s32 $0xFFFFD880  }
0xcb: {  	_ =	sfence.sel $0x180000  }
0xcc: {  	[bflag:$0x0] =	sbarrier.arrive $0xFFFF  }
0xcd: {  	_ =	strace $0x9000004A  }
0xce: {  	s0 =	stileid.u32;
	[bflag:$0x2] =	sbarrier.arrive $0xFFFF  }
0xcf: {  	p0 =	sne.s32 s0, $0x0;
	s0 =	rddreg [dreg:$0x3]  }
0xd0: {  	s0 =	sadd.s32 @!p0 $0x100000, s0  }
0xd1: {  	[sflag:s0] =	ssyncadd.tile.s32 @!p0 $0x1;
	_ =	shalt  }
.Lfunc_end2:
_tile_overlayer_lowered:
.L_overlay_start_2:
0xd2: {  	(tag) =	ssettag $0x2  }
0xd3: {  	s0 =	rddreg [dreg:$0x0];
	s2 =	stileid.u32  }
0xd4: {  	s1 =	rddreg [dreg:$0x1];
	p0 =	sne.s32 s2, $0x0  }
0xd5: {  	s3 =	rddreg [dreg:$0x2];
	[bflag:$0x3] =	sbarrier.arrive $0xFFFF;
	s2 =	simm.s32 @!p0 $0x1C06  }
0xd6: {  	[timem:s3], [sflag:s2] =	dma.local @!p0 [hbm:s0], s1  }
0xd7: {  	s0 =	simm.s32 @!p0 $0x6  }
0xd8: {  	_ =	swait.ge @!p0 [sflag:s0], s1  }
0xd9: {  	s1 =	ssub.s32 @!p0 $0x0, s1;
	[sflag:s0] =	ssyncset.done @!p0 $0x0  }
0xda: {  	[sflag:s0] =	ssyncadd.s32 @!p0 s1  }
0xdb: {  	[bflag:$0x3] =	sbarrier.arrive $0xFFFF  }
0xdc: {  	_ =	shalt  }

</sc_bundles>
